<compile_context>
chip_gen: v7x
topology: tpu7x:2x2x1
jax: 0.10.2.dev20260603
libtpu: 0.0.44.dev20260713+nightly
codegen_flags: <defaults>
</compile_context>

<pallas_src>
import functools

import jax
import jax.numpy as jnp
from jax import lax
from jax.experimental import pallas as pl
from jax.experimental.pallas import tpu as pltpu
from jax.experimental.pallas import tpu_sc as plsc

N = 10000
E = 320000
D = 128

NC = 2
NS = 16
NW = NC * NS
EPW = E // NW
CH = 125
NCHUNK = EPW // CH
NP = 10240
RPT = NP // NS
ZR = 64

_MESH = plsc.VectorSubcoreMesh(
    core_axis_name="c", subcore_axis_name="s", num_cores=NC, num_subcores=NS
)


def _agg_body(x_hbm, ei_hbm, z_hbm, agg_hbm,
              eb0, eb1, rows0, rows1, acc, gsem0, gsem1):
    c = lax.axis_index("c")
    s = lax.axis_index("s")
    wid = c * NS + s
    row0 = s * RPT

    pltpu.sync_copy(z_hbm, acc.at[pl.ds(row0, RPT)])
    plsc.subcore_barrier()

    pltpu.sync_copy(ei_hbm.at[wid, 0], eb0)
    pltpu.async_copy(x_hbm.at[eb0.at[0]], rows0, gsem0)

    def step(i2, _):
        i = i2 * 2
        pltpu.sync_copy(ei_hbm.at[wid, i + 1], eb1)
        pltpu.async_copy(x_hbm.at[eb1.at[0]], rows1, gsem1)
        pltpu.make_async_copy(x_hbm.at[eb0.at[0]], rows0, gsem0).wait()
        pltpu.sync_copy(rows0, acc.at[eb0.at[1]], add=True)
        nxt = jnp.minimum(i + 2, NCHUNK - 1)
        pltpu.sync_copy(ei_hbm.at[wid, nxt], eb0)
        pltpu.async_copy(x_hbm.at[eb0.at[0]], rows0, gsem0)
        pltpu.make_async_copy(x_hbm.at[eb1.at[0]], rows1, gsem1).wait()
        pltpu.sync_copy(rows1, acc.at[eb1.at[1]], add=True)
        return ()

    lax.fori_loop(0, NCHUNK // 2, step, ())
    pltpu.make_async_copy(x_hbm.at[eb0.at[0]], rows0, gsem0).wait()
    plsc.subcore_barrier()

    pltpu.sync_copy(acc.at[pl.ds(row0, RPT)], agg_hbm.at[c, pl.ds(row0, RPT)])


_agg_call = pl.kernel(
    _agg_body,
    out_type=jax.ShapeDtypeStruct((NC, NP, D), jnp.float32),
    mesh=_MESH,
    scratch_types=[
        pltpu.VMEM((2, CH), jnp.int32),
        pltpu.VMEM((2, CH), jnp.int32),
        pltpu.VMEM((CH, D), jnp.float32),
        pltpu.VMEM((CH, D), jnp.float32),
        pltpu.VMEM_SHARED((NP, D), jnp.float32),
        pltpu.SemaphoreType.DMA,
        pltpu.SemaphoreType.DMA,
    ],
)


def _cnt_body(ei_hbm, z_hbm, ones_hbm, cnt_hbm,
              eb0, ones_v, cnt_acc):
    c = lax.axis_index("c")
    s = lax.axis_index("s")
    wid = c * NS + s
    row0 = s * RPT

    pltpu.sync_copy(z_hbm, cnt_acc.at[pl.ds(row0, RPT)])
    pltpu.sync_copy(ones_hbm, ones_v)
    plsc.subcore_barrier()

    def chunk(i, _):
        pltpu.sync_copy(ei_hbm.at[wid, i], eb0)
        pltpu.sync_copy(ones_v, cnt_acc.at[eb0.at[1]], add=True)
        return ()

    lax.fori_loop(0, NCHUNK, chunk, ())
    plsc.subcore_barrier()

    pltpu.sync_copy(cnt_acc.at[pl.ds(row0, RPT)], cnt_hbm.at[c, pl.ds(row0, RPT)])


_cnt_call = pl.kernel(
    _cnt_body,
    out_type=jax.ShapeDtypeStruct((NC, NP, D), jnp.float32),
    mesh=_MESH,
    scratch_types=[
        pltpu.VMEM((2, CH), jnp.int32),
        pltpu.VMEM((CH, D), jnp.float32),
        pltpu.VMEM_SHARED((NP, D), jnp.float32),
    ],
)


def _fuse_body(relu, aggp_ref, cntp_ref, x_ref, wlt_ref, bl_ref, wrt_ref, o_ref):
    cnt = cntp_ref[0, :, 0:1] + cntp_ref[1, :, 0:1]
    mean = (aggp_ref[0] + aggp_ref[1]) / jnp.maximum(cnt, 1.0)
    y = jnp.dot(mean, wlt_ref[...], preferred_element_type=jnp.float32)
    y = y + jnp.dot(x_ref[...], wrt_ref[...], preferred_element_type=jnp.float32)
    y = y + bl_ref[...]
    o_ref[...] = jnp.maximum(y, 0.0) if relu else y


def _fuse(relu, aggp, cntp, x, wlt, bl2, wrt):
    BN = 1000
    return pl.pallas_call(
        functools.partial(_fuse_body, relu),
        grid=(N // BN,),
        in_specs=[
            pl.BlockSpec((NC, BN, D), lambda i: (0, i, 0)),
            pl.BlockSpec((NC, BN, D), lambda i: (0, i, 0)),
            pl.BlockSpec((BN, D), lambda i: (i, 0)),
            pl.BlockSpec((D, D), lambda i: (0, 0)),
            pl.BlockSpec((1, D), lambda i: (0, 0)),
            pl.BlockSpec((D, D), lambda i: (0, 0)),
        ],
        out_specs=pl.BlockSpec((BN, D), lambda i: (i, 0)),
        out_shape=jax.ShapeDtypeStruct((N, D), jnp.float32),
    )(aggp, cntp, x, wlt, bl2, wrt)


def kernel(x, edge_index, Wl1, bl1, Wr1, Wl2, bl2, Wr2, Wl3, bl3, Wr3):
    ei = edge_index.astype(jnp.int32).reshape(2, NW, NCHUNK, CH)
    ei = jnp.transpose(ei, (1, 2, 0, 3))
    zeros = jnp.zeros((RPT, D), jnp.float32)
    ones = jnp.ones((CH, D), jnp.float32)

    cntp = _cnt_call(ei, zeros, ones)
    aggp1 = _agg_call(x, ei, zeros)
    h1 = _fuse(True, aggp1, cntp, x, Wl1.T, bl1[None, :], Wr1.T)
    aggp2 = _agg_call(h1, ei, zeros)
    h2 = _fuse(True, aggp2, cntp, h1, Wl2.T, bl2[None, :], Wr2.T)
    aggp3 = _agg_call(h2, ei, zeros)
    return _fuse(False, aggp3, cntp, h2, Wl3.T, bl3[None, :], Wr3.T)

# --- scband reference (transcript-rebuilt; emitter-appended) ---
"""Pipeline reference for scband-gnn-23785528885726 (READ-ONLY COPY).

The authoritative reference and input builder live on the scoring server;
editing this copy changes nothing except your own understanding.
"""

import jax, jax.numpy as jnp
import numpy as np

N = 10000
E = 320000
D = 128


def _sage_conv(x, edge_index, Wl, bl, Wr):
    # PyG SAGEConv(aggr='mean', project=False):
    #   out = lin_l(mean_{j in N(i)} x_j) + lin_r(x_i)
    src = edge_index[0]
    dst = edge_index[1]
    msgs = jnp.take(x, src, axis=0)
    agg = jax.ops.segment_sum(msgs, dst, num_segments=N)
    cnt = jax.ops.segment_sum(jnp.ones((msgs.shape[0],), dtype=x.dtype), dst, num_segments=N)
    mean = agg / jnp.maximum(cnt, 1.0)[:, None]
    return mean @ Wl.T + bl + x @ Wr.T


def setup_inputs(seed: int = 0) -> dict:
    key = jax.random.key(seed)
    ks = jax.random.split(key, 12)
    x = jax.random.normal(ks[0], (N, D), dtype=jnp.float32)
    edge_index = jax.random.randint(ks[1], (2, E), 0, N, dtype=jnp.int64)
    s = 1.0 / np.sqrt(D)
    params = {}
    for i in range(3):
        params[f'Wl{i+1}'] = jax.random.uniform(ks[2 + 3 * i], (D, D), jnp.float32, -s, s)
        params[f'bl{i+1}'] = jax.random.uniform(ks[3 + 3 * i], (D,), jnp.float32, -s, s)
        params[f'Wr{i+1}'] = jax.random.uniform(ks[4 + 3 * i], (D, D), jnp.float32, -s, s)
    return {'x': x, 'edge_index': edge_index, **params}


def reference(x, edge_index, Wl1, bl1, Wr1, Wl2, bl2, Wr2, Wl3, bl3, Wr3):
    # dropout p=0.0 -> identity; residual_connection=False
    h1 = jax.nn.relu(_sage_conv(x, edge_index, Wl1, bl1, Wr1))
    h2 = jax.nn.relu(_sage_conv(h1, edge_index, Wl2, bl2, Wr2))
    out = _sage_conv(h2, edge_index, Wl3, bl3, Wr3)
    return out

if __name__ == "__main__":
    import jax
    _d = setup_inputs()
    print(jax.jit(kernel)(*tuple(_d.values())))

</pallas_src>

<mosaic_0001>
#map = affine_map<(d0, d1) -> (0, 0)>
#map1 = affine_map<(d0, d1) -> (0, 0, 0, 0)>
#map2 = affine_map<(d0, d1) -> (0, 0, 0)>
module attributes {stable_mosaic.version = 14 : i64} {
  func.func @_agg_body(%arg0: i32, %arg1: i32, %arg2: memref<10000x128xf32, #tpu.memory_space<hbm>>, %arg3: memref<32x80x2x125xi32, #tpu.memory_space<hbm>>, %arg4: memref<640x128xf32, #tpu.memory_space<hbm>>, %arg5: memref<2x10240x128xf32, #tpu.memory_space<hbm>>, %arg6: memref<2x125xi32, #tpu.memory_space<vmem>>, %arg7: memref<2x125xi32, #tpu.memory_space<vmem>>, %arg8: memref<125x128xf32, #tpu.memory_space<vmem>>, %arg9: memref<125x128xf32, #tpu.memory_space<vmem>>, %arg10: memref<10240x128xf32, #tpu.memory_space<vmem_shared>>, %arg11: memref<!tpu.dma_semaphore, #tpu.memory_space<semaphore_mem>>, %arg12: memref<!tpu.dma_semaphore, #tpu.memory_space<semaphore_mem>>) attributes {dimension_semantics = [#tpu.dimension_semantics<core_parallel>, #tpu.dimension_semantics<subcore_parallel>], iteration_bounds = array<i64: 2, 16>, scalar_prefetch = 0 : i64, scratch_operands = 7 : i64, tpu.core_type = #tpu.core_type<sc_vector_subcore>, window_params = [{transform_indices = #map}, {transform_indices = #map1}, {transform_indices = #map}, {transform_indices = #map2}]} {
    %mul3A = arith.constant 16 : i32
    %mul3A_0 = arith.muli %arg0, %mul3A : i32
    %add3A = arith.addi %mul3A_0, %arg1 : i32
    %mul3A_1 = arith.constant 640 : i32
    %mul3A_2 = arith.muli %arg1, %mul3A_1 : i32
    "tpu.region"() ({
      %run_scoped3A_20 = tpu.sem_alloc : memref<!tpu.dma_semaphore, #tpu.memory_space<semaphore_mem>>
      %dma_start3A_21 = arith.constant 0 : i32
      %dma_start3A_22 = tpu.memref_slice %arg10[%mul3A_2, %dma_start3A_21] : memref<10240x128xf32, #tpu.memory_space<vmem_shared>> -> memref<640x128xf32, #tpu.memory_space<vmem_shared>>
      tpu.enqueue_dma source(%arg4 : memref<640x128xf32, #tpu.memory_space<hbm>>) target(%dma_start3A_22 : memref<640x128xf32, #tpu.memory_space<vmem_shared>>) target_semaphore(%run_scoped3A_20 : memref<!tpu.dma_semaphore, #tpu.memory_space<semaphore_mem>>)
      %dma_wait3A_23 = arith.constant 0 : i32
      %dma_wait3A_24 = tpu.memref_slice %arg10[%mul3A_2, %dma_wait3A_23] : memref<10240x128xf32, #tpu.memory_space<vmem_shared>> -> memref<640x128xf32, #tpu.memory_space<vmem_shared>>
      tpu.wait_dma2 semaphore(%run_scoped3A_20 : memref<!tpu.dma_semaphore, #tpu.memory_space<semaphore_mem>>) src(%arg4 : memref<640x128xf32, #tpu.memory_space<hbm>>) dst(%dma_wait3A_24 : memref<640x128xf32, #tpu.memory_space<vmem_shared>>)
      tpu.yield
    }) : () -> ()
    %barrier3A = arith.constant 0 : index
    tpu.barrier barrier_id(%barrier3A)
    %run_scoped3A = arith.constant 0 : i32
    "tpu.region"() ({
      %run_scoped3A_20 = tpu.sem_alloc : memref<!tpu.dma_semaphore, #tpu.memory_space<semaphore_mem>>
      %dma_start3A_21 = arith.constant 0 : i32
      %dma_start3A_22 = arith.constant 0 : i32
      %dma_start3A_23 = tpu.memref_slice %arg3[%add3A, %run_scoped3A, %dma_start3A_21, %dma_start3A_22] : memref<32x80x2x125xi32, #tpu.memory_space<hbm>> -> memref<1x1x2x125xi32, #tpu.memory_space<hbm>>
      %dma_start3A_24 = tpu.memref_squeeze %dma_start3A_23 : memref<1x1x2x125xi32, #tpu.memory_space<hbm>> -> memref<2x125xi32, #tpu.memory_space<hbm>>
      %dma_start3A_25 = arith.constant 0 : i32
      %dma_start3A_26 = arith.constant 0 : i32
      %dma_start3A_27 = tpu.memref_slice %arg3[%add3A, %run_scoped3A, %dma_start3A_25, %dma_start3A_26] : memref<32x80x2x125xi32, #tpu.memory_space<hbm>> -> memref<1x1x2x125xi32, #tpu.memory_space<hbm>>
      %dma_start3A_28 = tpu.memref_squeeze %dma_start3A_27 : memref<1x1x2x125xi32, #tpu.memory_space<hbm>> -> memref<2x125xi32, #tpu.memory_space<hbm>>
      tpu.enqueue_dma source(%dma_start3A_28 : memref<2x125xi32, #tpu.memory_space<hbm>>) target(%arg6 : memref<2x125xi32, #tpu.memory_space<vmem>>) target_semaphore(%run_scoped3A_20 : memref<!tpu.dma_semaphore, #tpu.memory_space<semaphore_mem>>)
      %dma_wait3A_29 = arith.constant 0 : i32
      %dma_wait3A_30 = arith.constant 0 : i32
      %dma_wait3A_31 = tpu.memref_slice %arg3[%add3A, %run_scoped3A, %dma_wait3A_29, %dma_wait3A_30] : memref<32x80x2x125xi32, #tpu.memory_space<hbm>> -> memref<1x1x2x125xi32, #tpu.memory_space<hbm>>
      %dma_wait3A_32 = tpu.memref_squeeze %dma_wait3A_31 : memref<1x1x2x125xi32, #tpu.memory_space<hbm>> -> memref<2x125xi32, #tpu.memory_space<hbm>>
      %dma_wait3A_33 = arith.constant 0 : i32
      %dma_wait3A_34 = arith.constant 0 : i32
      %dma_wait3A_35 = tpu.memref_slice %arg3[%add3A, %run_scoped3A, %dma_wait3A_33, %dma_wait3A_34] : memref<32x80x2x125xi32, #tpu.memory_space<hbm>> -> memref<1x1x2x125xi32, #tpu.memory_space<hbm>>
      %dma_wait3A_36 = tpu.memref_squeeze %dma_wait3A_35 : memref<1x1x2x125xi32, #tpu.memory_space<hbm>> -> memref<2x125xi32, #tpu.memory_space<hbm>>
      tpu.wait_dma2 semaphore(%run_scoped3A_20 : memref<!tpu.dma_semaphore, #tpu.memory_space<semaphore_mem>>) src(%dma_wait3A_36 : memref<2x125xi32, #tpu.memory_space<hbm>>) dst(%arg6 : memref<2x125xi32, #tpu.memory_space<vmem>>)
      tpu.yield
    }) : () -> ()
    %dma_start3A = arith.constant 0 : i32
    %dma_start3A_3 = arith.constant 0 : i32
    %dma_start3A_4 = tpu.memref_slice %arg6[%dma_start3A, %dma_start3A_3] : memref<2x125xi32, #tpu.memory_space<vmem>> -> memref<1x125xi32, #tpu.memory_space<vmem>>
    %dma_start3A_5 = tpu.memref_squeeze %dma_start3A_4 : memref<1x125xi32, #tpu.memory_space<vmem>> -> memref<125xi32, #tpu.memory_space<vmem>>
    %dma_start3A_6 = arith.constant 0 : i32
    %dma_start3A_7 = arith.constant 0 : i32
    %dma_start3A_8 = tpu.memref_slice %arg2[%dma_start3A_6, %dma_start3A_7] : memref<10000x128xf32, #tpu.memory_space<hbm>> -> memref<10000x128xf32, #tpu.memory_space<hbm>>
    tpu.enqueue_indirect_dma source(%dma_start3A_8 : memref<10000x128xf32, #tpu.memory_space<hbm>>) target(%arg8 : memref<125x128xf32, #tpu.memory_space<vmem>>) offsets(%dma_start3A_5 : memref<125xi32, #tpu.memory_space<vmem>>) semaphore(%arg11 : memref<!tpu.dma_semaphore, #tpu.memory_space<semaphore_mem>>)
    %scan3A = arith.constant 0 : i32
    %scan3A_9 = arith.constant 40 : i32
    %scan3A_10 = arith.addi %scan3A, %scan3A_9 : i32
    %scan3A_11 = arith.constant 1 : i32
    scf.for %scan3A_20 = %scan3A to %scan3A_10 step %scan3A_11  : i32 {
      %mul3A_21 = arith.constant 2 : i32
      %mul3A_22 = arith.muli %scan3A_20, %mul3A_21 : i32
      %add3A_23 = arith.constant 1 : i32
      %add3A_24 = arith.addi %mul3A_22, %add3A_23 : i32
      "tpu.region"() ({
        %run_scoped3A_58 = tpu.sem_alloc : memref<!tpu.dma_semaphore, #tpu.memory_space<semaphore_mem>>
        %dma_start3A_59 = arith.constant 0 : i32
        %dma_start3A_60 = arith.constant 0 : i32
        %dma_start3A_61 = tpu.memref_slice %arg3[%add3A, %add3A_24, %dma_start3A_59, %dma_start3A_60] : memref<32x80x2x125xi32, #tpu.memory_space<hbm>> -> memref<1x1x2x125xi32, #tpu.memory_space<hbm>>
        %dma_start3A_62 = tpu.memref_squeeze %dma_start3A_61 : memref<1x1x2x125xi32, #tpu.memory_space<hbm>> -> memref<2x125xi32, #tpu.memory_space<hbm>>
        %dma_start3A_63 = arith.constant 0 : i32
        %dma_start3A_64 = arith.constant 0 : i32
        %dma_start3A_65 = tpu.memref_slice %arg3[%add3A, %add3A_24, %dma_start3A_63, %dma_start3A_64] : memref<32x80x2x125xi32, #tpu.memory_space<hbm>> -> memref<1x1x2x125xi32, #tpu.memory_space<hbm>>
        %dma_start3A_66 = tpu.memref_squeeze %dma_start3A_65 : memref<1x1x2x125xi32, #tpu.memory_space<hbm>> -> memref<2x125xi32, #tpu.memory_space<hbm>>
        tpu.enqueue_dma source(%dma_start3A_66 : memref<2x125xi32, #tpu.memory_space<hbm>>) target(%arg7 : memref<2x125xi32, #tpu.memory_space<vmem>>) target_semaphore(%run_scoped3A_58 : memref<!tpu.dma_semaphore, #tpu.memory_space<semaphore_mem>>)
        %dma_wait3A_67 = arith.constant 0 : i32
        %dma_wait3A_68 = arith.constant 0 : i32
        %dma_wait3A_69 = tpu.memref_slice %arg3[%add3A, %add3A_24, %dma_wait3A_67, %dma_wait3A_68] : memref<32x80x2x125xi32, #tpu.memory_space<hbm>> -> memref<1x1x2x125xi32, #tpu.memory_space<hbm>>
        %dma_wait3A_70 = tpu.memref_squeeze %dma_wait3A_69 : memref<1x1x2x125xi32, #tpu.memory_space<hbm>> -> memref<2x125xi32, #tpu.memory_space<hbm>>
        %dma_wait3A_71 = arith.constant 0 : i32
        %dma_wait3A_72 = arith.constant 0 : i32
        %dma_wait3A_73 = tpu.memref_slice %arg3[%add3A, %add3A_24, %dma_wait3A_71, %dma_wait3A_72] : memref<32x80x2x125xi32, #tpu.memory_space<hbm>> -> memref<1x1x2x125xi32, #tpu.memory_space<hbm>>
        %dma_wait3A_74 = tpu.memref_squeeze %dma_wait3A_73 : memref<1x1x2x125xi32, #tpu.memory_space<hbm>> -> memref<2x125xi32, #tpu.memory_space<hbm>>
        tpu.wait_dma2 semaphore(%run_scoped3A_58 : memref<!tpu.dma_semaphore, #tpu.memory_space<semaphore_mem>>) src(%dma_wait3A_74 : memref<2x125xi32, #tpu.memory_space<hbm>>) dst(%arg7 : memref<2x125xi32, #tpu.memory_space<vmem>>)
        tpu.yield
      }) : () -> ()
      %dma_start3A_25 = arith.constant 0 : i32
      %dma_start3A_26 = arith.constant 0 : i32
      %dma_start3A_27 = tpu.memref_slice %arg7[%dma_start3A_25, %dma_start3A_26] : memref<2x125xi32, #tpu.memory_space<vmem>> -> memref<1x125xi32, #tpu.memory_space<vmem>>
      %dma_start3A_28 = tpu.memref_squeeze %dma_start3A_27 : memref<1x125xi32, #tpu.memory_space<vmem>> -> memref<125xi32, #tpu.memory_space<vmem>>
      %dma_start3A_29 = arith.constant 0 : i32
      %dma_start3A_30 = arith.constant 0 : i32
      %dma_start3A_31 = tpu.memref_slice %arg2[%dma_start3A_29, %dma_start3A_30] : memref<10000x128xf32, #tpu.memory_space<hbm>> -> memref<10000x128xf32, #tpu.memory_space<hbm>>
      tpu.enqueue_indirect_dma source(%dma_start3A_31 : memref<10000x128xf32, #tpu.memory_space<hbm>>) target(%arg9 : memref<125x128xf32, #tpu.memory_space<vmem>>) offsets(%dma_start3A_28 : memref<125xi32, #tpu.memory_space<vmem>>) semaphore(%arg12 : memref<!tpu.dma_semaphore, #tpu.memory_space<semaphore_mem>>)
      %dma_wait3A_32 = arith.constant 0 : i32
      %dma_wait3A_33 = arith.constant 0 : i32
      %dma_wait3A_34 = tpu.memref_slice %arg6[%dma_wait3A_32, %dma_wait3A_33] : memref<2x125xi32, #tpu.memory_space<vmem>> -> memref<1x125xi32, #tpu.memory_space<vmem>>
      %dma_wait3A_35 = tpu.memref_squeeze %dma_wait3A_34 : memref<1x125xi32, #tpu.memory_space<vmem>> -> memref<125xi32, #tpu.memory_space<vmem>>
      %dma_wait3A_36 = arith.constant 0 : i32
      %dma_wait3A_37 = arith.constant 0 : i32
      %dma_wait3A_38 = tpu.memref_slice %arg2[%dma_wait3A_36, %dma_wait3A_37] : memref<10000x128xf32, #tpu.memory_space<hbm>> -> memref<10000x128xf32, #tpu.memory_space<hbm>>
      tpu.wait_indirect_dma semaphore(%arg11 : memref<!tpu.dma_semaphore, #tpu.memory_space<semaphore_mem>>) src(%dma_wait3A_38 : memref<10000x128xf32, #tpu.memory_space<hbm>>) dst(%arg8 : memref<125x128xf32, #tpu.memory_space<vmem>>)
      %run_scoped3A_39 = arith.constant 1 : i32
      "tpu.region"() ({
        %run_scoped3A_58 = tpu.sem_alloc : memref<!tpu.dma_semaphore, #tpu.memory_space<semaphore_mem>>
        %dma_start3A_59 = arith.constant 0 : i32
        %dma_start3A_60 = tpu.memref_slice %arg6[%run_scoped3A_39, %dma_start3A_59] : memref<2x125xi32, #tpu.memory_space<vmem>> -> memref<1x125xi32, #tpu.memory_space<vmem>>
        %dma_start3A_61 = tpu.memref_squeeze %dma_start3A_60 : memref<1x125xi32, #tpu.memory_space<vmem>> -> memref<125xi32, #tpu.memory_space<vmem>>
        %dma_start3A_62 = arith.constant 0 : i32
        %dma_start3A_63 = arith.constant 0 : i32
        %dma_start3A_64 = tpu.memref_slice %arg10[%dma_start3A_62, %dma_start3A_63] : memref<10240x128xf32, #tpu.memory_space<vmem_shared>> -> memref<10240x128xf32, #tpu.memory_space<vmem_shared>>
        tpu.enqueue_indirect_dma source(%arg8 : memref<125x128xf32, #tpu.memory_space<vmem>>) target(%dma_start3A_64 : memref<10240x128xf32, #tpu.memory_space<vmem_shared>>) offsets(%dma_start3A_61 : memref<125xi32, #tpu.memory_space<vmem>>) semaphore(%run_scoped3A_58 : memref<!tpu.dma_semaphore, #tpu.memory_space<semaphore_mem>>) {add = true}
        %dma_wait3A_65 = arith.constant 0 : i32
        %dma_wait3A_66 = tpu.memref_slice %arg6[%run_scoped3A_39, %dma_wait3A_65] : memref<2x125xi32, #tpu.memory_space<vmem>> -> memref<1x125xi32, #tpu.memory_space<vmem>>
        %dma_wait3A_67 = tpu.memref_squeeze %dma_wait3A_66 : memref<1x125xi32, #tpu.memory_space<vmem>> -> memref<125xi32, #tpu.memory_space<vmem>>
        %dma_wait3A_68 = arith.constant 0 : i32
        %dma_wait3A_69 = arith.constant 0 : i32
        %dma_wait3A_70 = tpu.memref_slice %arg10[%dma_wait3A_68, %dma_wait3A_69] : memref<10240x128xf32, #tpu.memory_space<vmem_shared>> -> memref<10240x128xf32, #tpu.memory_space<vmem_shared>>
        tpu.wait_indirect_dma semaphore(%run_scoped3A_58 : memref<!tpu.dma_semaphore, #tpu.memory_space<semaphore_mem>>) src(%arg8 : memref<125x128xf32, #tpu.memory_space<vmem>>) dst(%dma_wait3A_70 : memref<10240x128xf32, #tpu.memory_space<vmem_shared>>)
        tpu.yield
      }) : () -> ()
      %add3A_40 = arith.constant 2 : i32
      %add3A_41 = arith.addi %mul3A_22, %add3A_40 : i32
      %min3A = arith.constant 79 : i32
      %min3A_42 = arith.minsi %add3A_41, %min3A : i32
      "tpu.region"() ({
        %run_scoped3A_58 = tpu.sem_alloc : memref<!tpu.dma_semaphore, #tpu.memory_space<semaphore_mem>>
        %dma_start3A_59 = arith.constant 0 : i32
        %dma_start3A_60 = arith.constant 0 : i32
        %dma_start3A_61 = tpu.memref_slice %arg3[%add3A, %min3A_42, %dma_start3A_59, %dma_start3A_60] : memref<32x80x2x125xi32, #tpu.memory_space<hbm>> -> memref<1x1x2x125xi32, #tpu.memory_space<hbm>>
        %dma_start3A_62 = tpu.memref_squeeze %dma_start3A_61 : memref<1x1x2x125xi32, #tpu.memory_space<hbm>> -> memref<2x125xi32, #tpu.memory_space<hbm>>
        %dma_start3A_63 = arith.constant 0 : i32
        %dma_start3A_64 = arith.constant 0 : i32
        %dma_start3A_65 = tpu.memref_slice %arg3[%add3A, %min3A_42, %dma_start3A_63, %dma_start3A_64] : memref<32x80x2x125xi32, #tpu.memory_space<hbm>> -> memref<1x1x2x125xi32, #tpu.memory_space<hbm>>
        %dma_start3A_66 = tpu.memref_squeeze %dma_start3A_65 : memref<1x1x2x125xi32, #tpu.memory_space<hbm>> -> memref<2x125xi32, #tpu.memory_space<hbm>>
        tpu.enqueue_dma source(%dma_start3A_66 : memref<2x125xi32, #tpu.memory_space<hbm>>) target(%arg6 : memref<2x125xi32, #tpu.memory_space<vmem>>) target_semaphore(%run_scoped3A_58 : memref<!tpu.dma_semaphore, #tpu.memory_space<semaphore_mem>>)
        %dma_wait3A_67 = arith.constant 0 : i32
        %dma_wait3A_68 = arith.constant 0 : i32
        %dma_wait3A_69 = tpu.memref_slice %arg3[%add3A, %min3A_42, %dma_wait3A_67, %dma_wait3A_68] : memref<32x80x2x125xi32, #tpu.memory_space<hbm>> -> memref<1x1x2x125xi32, #tpu.memory_space<hbm>>
        %dma_wait3A_70 = tpu.memref_squeeze %dma_wait3A_69 : memref<1x1x2x125xi32, #tpu.memory_space<hbm>> -> memref<2x125xi32, #tpu.memory_space<hbm>>
        %dma_wait3A_71 = arith.constant 0 : i32
        %dma_wait3A_72 = arith.constant 0 : i32
        %dma_wait3A_73 = tpu.memref_slice %arg3[%add3A, %min3A_42, %dma_wait3A_71, %dma_wait3A_72] : memref<32x80x2x125xi32, #tpu.memory_space<hbm>> -> memref<1x1x2x125xi32, #tpu.memory_space<hbm>>
        %dma_wait3A_74 = tpu.memref_squeeze %dma_wait3A_73 : memref<1x1x2x125xi32, #tpu.memory_space<hbm>> -> memref<2x125xi32, #tpu.memory_space<hbm>>
        tpu.wait_dma2 semaphore(%run_scoped3A_58 : memref<!tpu.dma_semaphore, #tpu.memory_space<semaphore_mem>>) src(%dma_wait3A_74 : memref<2x125xi32, #tpu.memory_space<hbm>>) dst(%arg6 : memref<2x125xi32, #tpu.memory_space<vmem>>)
        tpu.yield
      }) : () -> ()
      %dma_start3A_43 = arith.constant 0 : i32
      %dma_start3A_44 = arith.constant 0 : i32
      %dma_start3A_45 = tpu.memref_slice %arg6[%dma_start3A_43, %dma_start3A_44] : memref<2x125xi32, #tpu.memory_space<vmem>> -> memref<1x125xi32, #tpu.memory_space<vmem>>
      %dma_start3A_46 = tpu.memref_squeeze %dma_start3A_45 : memref<1x125xi32, #tpu.memory_space<vmem>> -> memref<125xi32, #tpu.memory_space<vmem>>
      %dma_start3A_47 = arith.constant 0 : i32
      %dma_start3A_48 = arith.constant 0 : i32
      %dma_start3A_49 = tpu.memref_slice %arg2[%dma_start3A_47, %dma_start3A_48] : memref<10000x128xf32, #tpu.memory_space<hbm>> -> memref<10000x128xf32, #tpu.memory_space<hbm>>
      tpu.enqueue_indirect_dma source(%dma_start3A_49 : memref<10000x128xf32, #tpu.memory_space<hbm>>) target(%arg8 : memref<125x128xf32, #tpu.memory_space<vmem>>) offsets(%dma_start3A_46 : memref<125xi32, #tpu.memory_space<vmem>>) semaphore(%arg11 : memref<!tpu.dma_semaphore, #tpu.memory_space<semaphore_mem>>)
      %dma_wait3A_50 = arith.constant 0 : i32
      %dma_wait3A_51 = arith.constant 0 : i32
      %dma_wait3A_52 = tpu.memref_slice %arg7[%dma_wait3A_50, %dma_wait3A_51] : memref<2x125xi32, #tpu.memory_space<vmem>> -> memref<1x125xi32, #tpu.memory_space<vmem>>
      %dma_wait3A_53 = tpu.memref_squeeze %dma_wait3A_52 : memref<1x125xi32, #tpu.memory_space<vmem>> -> memref<125xi32, #tpu.memory_space<vmem>>
      %dma_wait3A_54 = arith.constant 0 : i32
      %dma_wait3A_55 = arith.constant 0 : i32
      %dma_wait3A_56 = tpu.memref_slice %arg2[%dma_wait3A_54, %dma_wait3A_55] : memref<10000x128xf32, #tpu.memory_space<hbm>> -> memref<10000x128xf32, #tpu.memory_space<hbm>>
      tpu.wait_indirect_dma semaphore(%arg12 : memref<!tpu.dma_semaphore, #tpu.memory_space<semaphore_mem>>) src(%dma_wait3A_56 : memref<10000x128xf32, #tpu.memory_space<hbm>>) dst(%arg9 : memref<125x128xf32, #tpu.memory_space<vmem>>)
      %run_scoped3A_57 = arith.constant 1 : i32
      "tpu.region"() ({
        %run_scoped3A_58 = tpu.sem_alloc : memref<!tpu.dma_semaphore, #tpu.memory_space<semaphore_mem>>
        %dma_start3A_59 = arith.constant 0 : i32
        %dma_start3A_60 = tpu.memref_slice %arg7[%run_scoped3A_57, %dma_start3A_59] : memref<2x125xi32, #tpu.memory_space<vmem>> -> memref<1x125xi32, #tpu.memory_space<vmem>>
        %dma_start3A_61 = tpu.memref_squeeze %dma_start3A_60 : memref<1x125xi32, #tpu.memory_space<vmem>> -> memref<125xi32, #tpu.memory_space<vmem>>
        %dma_start3A_62 = arith.constant 0 : i32
        %dma_start3A_63 = arith.constant 0 : i32
        %dma_start3A_64 = tpu.memref_slice %arg10[%dma_start3A_62, %dma_start3A_63] : memref<10240x128xf32, #tpu.memory_space<vmem_shared>> -> memref<10240x128xf32, #tpu.memory_space<vmem_shared>>
        tpu.enqueue_indirect_dma source(%arg9 : memref<125x128xf32, #tpu.memory_space<vmem>>) target(%dma_start3A_64 : memref<10240x128xf32, #tpu.memory_space<vmem_shared>>) offsets(%dma_start3A_61 : memref<125xi32, #tpu.memory_space<vmem>>) semaphore(%run_scoped3A_58 : memref<!tpu.dma_semaphore, #tpu.memory_space<semaphore_mem>>) {add = true}
        %dma_wait3A_65 = arith.constant 0 : i32
        %dma_wait3A_66 = tpu.memref_slice %arg7[%run_scoped3A_57, %dma_wait3A_65] : memref<2x125xi32, #tpu.memory_space<vmem>> -> memref<1x125xi32, #tpu.memory_space<vmem>>
        %dma_wait3A_67 = tpu.memref_squeeze %dma_wait3A_66 : memref<1x125xi32, #tpu.memory_space<vmem>> -> memref<125xi32, #tpu.memory_space<vmem>>
        %dma_wait3A_68 = arith.constant 0 : i32
        %dma_wait3A_69 = arith.constant 0 : i32
        %dma_wait3A_70 = tpu.memref_slice %arg10[%dma_wait3A_68, %dma_wait3A_69] : memref<10240x128xf32, #tpu.memory_space<vmem_shared>> -> memref<10240x128xf32, #tpu.memory_space<vmem_shared>>
        tpu.wait_indirect_dma semaphore(%run_scoped3A_58 : memref<!tpu.dma_semaphore, #tpu.memory_space<semaphore_mem>>) src(%arg9 : memref<125x128xf32, #tpu.memory_space<vmem>>) dst(%dma_wait3A_70 : memref<10240x128xf32, #tpu.memory_space<vmem_shared>>)
        tpu.yield
      }) : () -> ()
    }
    %scan3A_12 = arith.constant 40 : i32
    %dma_wait3A = arith.constant 0 : i32
    %dma_wait3A_13 = arith.constant 0 : i32
    %dma_wait3A_14 = tpu.memref_slice %arg6[%dma_wait3A, %dma_wait3A_13] : memref<2x125xi32, #tpu.memory_space<vmem>> -> memref<1x125xi32, #tpu.memory_space<vmem>>
    %dma_wait3A_15 = tpu.memref_squeeze %dma_wait3A_14 : memref<1x125xi32, #tpu.memory_space<vmem>> -> memref<125xi32, #tpu.memory_space<vmem>>
    %dma_wait3A_16 = arith.constant 0 : i32
    %dma_wait3A_17 = arith.constant 0 : i32
    %dma_wait3A_18 = tpu.memref_slice %arg2[%dma_wait3A_16, %dma_wait3A_17] : memref<10000x128xf32, #tpu.memory_space<hbm>> -> memref<10000x128xf32, #tpu.memory_space<hbm>>
    tpu.wait_indirect_dma semaphore(%arg11 : memref<!tpu.dma_semaphore, #tpu.memory_space<semaphore_mem>>) src(%dma_wait3A_18 : memref<10000x128xf32, #tpu.memory_space<hbm>>) dst(%arg8 : memref<125x128xf32, #tpu.memory_space<vmem>>)
    %barrier3A_19 = arith.constant 0 : index
    tpu.barrier barrier_id(%barrier3A_19)
    "tpu.region"() ({
      %run_scoped3A_20 = tpu.sem_alloc : memref<!tpu.dma_semaphore, #tpu.memory_space<semaphore_mem>>
      %dma_start3A_21 = arith.constant 0 : i32
      %dma_start3A_22 = tpu.memref_slice %arg5[%arg0, %mul3A_2, %dma_start3A_21] : memref<2x10240x128xf32, #tpu.memory_space<hbm>> -> memref<1x640x128xf32, #tpu.memory_space<hbm>>
      %dma_start3A_23 = tpu.memref_squeeze %dma_start3A_22 : memref<1x640x128xf32, #tpu.memory_space<hbm>> -> memref<640x128xf32, #tpu.memory_space<hbm>>
      %dma_start3A_24 = arith.constant 0 : i32
      %dma_start3A_25 = tpu.memref_slice %arg10[%mul3A_2, %dma_start3A_24] : memref<10240x128xf32, #tpu.memory_space<vmem_shared>> -> memref<640x128xf32, #tpu.memory_space<vmem_shared>>
      tpu.enqueue_dma source(%dma_start3A_25 : memref<640x128xf32, #tpu.memory_space<vmem_shared>>) target(%dma_start3A_23 : memref<640x128xf32, #tpu.memory_space<hbm>>) target_semaphore(%run_scoped3A_20 : memref<!tpu.dma_semaphore, #tpu.memory_space<semaphore_mem>>)
      %dma_wait3A_26 = arith.constant 0 : i32
      %dma_wait3A_27 = tpu.memref_slice %arg5[%arg0, %mul3A_2, %dma_wait3A_26] : memref<2x10240x128xf32, #tpu.memory_space<hbm>> -> memref<1x640x128xf32, #tpu.memory_space<hbm>>
      %dma_wait3A_28 = tpu.memref_squeeze %dma_wait3A_27 : memref<1x640x128xf32, #tpu.memory_space<hbm>> -> memref<640x128xf32, #tpu.memory_space<hbm>>
      %dma_wait3A_29 = arith.constant 0 : i32
      %dma_wait3A_30 = tpu.memref_slice %arg10[%mul3A_2, %dma_wait3A_29] : memref<10240x128xf32, #tpu.memory_space<vmem_shared>> -> memref<640x128xf32, #tpu.memory_space<vmem_shared>>
      tpu.wait_dma2 semaphore(%run_scoped3A_20 : memref<!tpu.dma_semaphore, #tpu.memory_space<semaphore_mem>>) src(%dma_wait3A_30 : memref<640x128xf32, #tpu.memory_space<vmem_shared>>) dst(%dma_wait3A_28 : memref<640x128xf32, #tpu.memory_space<hbm>>)
      tpu.yield
    }) : () -> ()
    return
  }
}

#map = affine_map<(d0, d1) -> (0, 0, 0, 0)>
#map1 = affine_map<(d0, d1) -> (0, 0)>
#map2 = affine_map<(d0, d1) -> (0, 0, 0)>
module attributes {stable_mosaic.version = 14 : i64} {
  func.func @_cnt_body(%arg0: i32, %arg1: i32, %arg2: memref<32x80x2x125xi32, #tpu.memory_space<hbm>>, %arg3: memref<640x128xf32, #tpu.memory_space<hbm>>, %arg4: memref<125x128xf32, #tpu.memory_space<hbm>>, %arg5: memref<2x10240x128xf32, #tpu.memory_space<hbm>>, %arg6: memref<2x125xi32, #tpu.memory_space<vmem>>, %arg7: memref<125x128xf32, #tpu.memory_space<vmem>>, %arg8: memref<10240x128xf32, #tpu.memory_space<vmem_shared>>) attributes {dimension_semantics = [#tpu.dimension_semantics<core_parallel>, #tpu.dimension_semantics<subcore_parallel>], iteration_bounds = array<i64: 2, 16>, scalar_prefetch = 0 : i64, scratch_operands = 3 : i64, tpu.core_type = #tpu.core_type<sc_vector_subcore>, window_params = [{transform_indices = #map}, {transform_indices = #map1}, {transform_indices = #map1}, {transform_indices = #map2}]} {
    %mul3A = arith.constant 16 : i32
    %mul3A_0 = arith.muli %arg0, %mul3A : i32
    %add3A = arith.addi %mul3A_0, %arg1 : i32
    %mul3A_1 = arith.constant 640 : i32
    %mul3A_2 = arith.muli %arg1, %mul3A_1 : i32
    "tpu.region"() ({
      %run_scoped3A = tpu.sem_alloc : memref<!tpu.dma_semaphore, #tpu.memory_space<semaphore_mem>>
      %dma_start3A = arith.constant 0 : i32
      %dma_start3A_8 = tpu.memref_slice %arg8[%mul3A_2, %dma_start3A] : memref<10240x128xf32, #tpu.memory_space<vmem_shared>> -> memref<640x128xf32, #tpu.memory_space<vmem_shared>>
      tpu.enqueue_dma source(%arg3 : memref<640x128xf32, #tpu.memory_space<hbm>>) target(%dma_start3A_8 : memref<640x128xf32, #tpu.memory_space<vmem_shared>>) target_semaphore(%run_scoped3A : memref<!tpu.dma_semaphore, #tpu.memory_space<semaphore_mem>>)
      %dma_wait3A = arith.constant 0 : i32
      %dma_wait3A_9 = tpu.memref_slice %arg8[%mul3A_2, %dma_wait3A] : memref<10240x128xf32, #tpu.memory_space<vmem_shared>> -> memref<640x128xf32, #tpu.memory_space<vmem_shared>>
      tpu.wait_dma2 semaphore(%run_scoped3A : memref<!tpu.dma_semaphore, #tpu.memory_space<semaphore_mem>>) src(%arg3 : memref<640x128xf32, #tpu.memory_space<hbm>>) dst(%dma_wait3A_9 : memref<640x128xf32, #tpu.memory_space<vmem_shared>>)
      tpu.yield
    }) : () -> ()
    "tpu.region"() ({
      %run_scoped3A = tpu.sem_alloc : memref<!tpu.dma_semaphore, #tpu.memory_space<semaphore_mem>>
      tpu.enqueue_dma source(%arg4 : memref<125x128xf32, #tpu.memory_space<hbm>>) target(%arg7 : memref<125x128xf32, #tpu.memory_space<vmem>>) target_semaphore(%run_scoped3A : memref<!tpu.dma_semaphore, #tpu.memory_space<semaphore_mem>>)
      tpu.wait_dma2 semaphore(%run_scoped3A : memref<!tpu.dma_semaphore, #tpu.memory_space<semaphore_mem>>) src(%arg4 : memref<125x128xf32, #tpu.memory_space<hbm>>) dst(%arg7 : memref<125x128xf32, #tpu.memory_space<vmem>>)
      tpu.yield
    }) : () -> ()
    %barrier3A = arith.constant 0 : index
    tpu.barrier barrier_id(%barrier3A)
    %scan3A = arith.constant 0 : i32
    %scan3A_3 = arith.constant 80 : i32
    %scan3A_4 = arith.addi %scan3A, %scan3A_3 : i32
    %scan3A_5 = arith.constant 1 : i32
    scf.for %scan3A_8 = %scan3A to %scan3A_4 step %scan3A_5  : i32 {
      "tpu.region"() ({
        %run_scoped3A_9 = tpu.sem_alloc : memref<!tpu.dma_semaphore, #tpu.memory_space<semaphore_mem>>
        %dma_start3A = arith.constant 0 : i32
        %dma_start3A_10 = arith.constant 0 : i32
        %dma_start3A_11 = tpu.memref_slice %arg2[%add3A, %scan3A_8, %dma_start3A, %dma_start3A_10] : memref<32x80x2x125xi32, #tpu.memory_space<hbm>> -> memref<1x1x2x125xi32, #tpu.memory_space<hbm>>
        %dma_start3A_12 = tpu.memref_squeeze %dma_start3A_11 : memref<1x1x2x125xi32, #tpu.memory_space<hbm>> -> memref<2x125xi32, #tpu.memory_space<hbm>>
        %dma_start3A_13 = arith.constant 0 : i32
        %dma_start3A_14 = arith.constant 0 : i32
        %dma_start3A_15 = tpu.memref_slice %arg2[%add3A, %scan3A_8, %dma_start3A_13, %dma_start3A_14] : memref<32x80x2x125xi32, #tpu.memory_space<hbm>> -> memref<1x1x2x125xi32, #tpu.memory_space<hbm>>
        %dma_start3A_16 = tpu.memref_squeeze %dma_start3A_15 : memref<1x1x2x125xi32, #tpu.memory_space<hbm>> -> memref<2x125xi32, #tpu.memory_space<hbm>>
        tpu.enqueue_dma source(%dma_start3A_16 : memref<2x125xi32, #tpu.memory_space<hbm>>) target(%arg6 : memref<2x125xi32, #tpu.memory_space<vmem>>) target_semaphore(%run_scoped3A_9 : memref<!tpu.dma_semaphore, #tpu.memory_space<semaphore_mem>>)
        %dma_wait3A = arith.constant 0 : i32
        %dma_wait3A_17 = arith.constant 0 : i32
        %dma_wait3A_18 = tpu.memref_slice %arg2[%add3A, %scan3A_8, %dma_wait3A, %dma_wait3A_17] : memref<32x80x2x125xi32, #tpu.memory_space<hbm>> -> memref<1x1x2x125xi32, #tpu.memory_space<hbm>>
        %dma_wait3A_19 = tpu.memref_squeeze %dma_wait3A_18 : memref<1x1x2x125xi32, #tpu.memory_space<hbm>> -> memref<2x125xi32, #tpu.memory_space<hbm>>
        %dma_wait3A_20 = arith.constant 0 : i32
        %dma_wait3A_21 = arith.constant 0 : i32
        %dma_wait3A_22 = tpu.memref_slice %arg2[%add3A, %scan3A_8, %dma_wait3A_20, %dma_wait3A_21] : memref<32x80x2x125xi32, #tpu.memory_space<hbm>> -> memref<1x1x2x125xi32, #tpu.memory_space<hbm>>
        %dma_wait3A_23 = tpu.memref_squeeze %dma_wait3A_22 : memref<1x1x2x125xi32, #tpu.memory_space<hbm>> -> memref<2x125xi32, #tpu.memory_space<hbm>>
        tpu.wait_dma2 semaphore(%run_scoped3A_9 : memref<!tpu.dma_semaphore, #tpu.memory_space<semaphore_mem>>) src(%dma_wait3A_23 : memref<2x125xi32, #tpu.memory_space<hbm>>) dst(%arg6 : memref<2x125xi32, #tpu.memory_space<vmem>>)
        tpu.yield
      }) : () -> ()
      %run_scoped3A = arith.constant 1 : i32
      "tpu.region"() ({
        %run_scoped3A_9 = tpu.sem_alloc : memref<!tpu.dma_semaphore, #tpu.memory_space<semaphore_mem>>
        %dma_start3A = arith.constant 0 : i32
        %dma_start3A_10 = tpu.memref_slice %arg6[%run_scoped3A, %dma_start3A] : memref<2x125xi32, #tpu.memory_space<vmem>> -> memref<1x125xi32, #tpu.memory_space<vmem>>
        %dma_start3A_11 = tpu.memref_squeeze %dma_start3A_10 : memref<1x125xi32, #tpu.memory_space<vmem>> -> memref<125xi32, #tpu.memory_space<vmem>>
        %dma_start3A_12 = arith.constant 0 : i32
        %dma_start3A_13 = arith.constant 0 : i32
        %dma_start3A_14 = tpu.memref_slice %arg8[%dma_start3A_12, %dma_start3A_13] : memref<10240x128xf32, #tpu.memory_space<vmem_shared>> -> memref<10240x128xf32, #tpu.memory_space<vmem_shared>>
        tpu.enqueue_indirect_dma source(%arg7 : memref<125x128xf32, #tpu.memory_space<vmem>>) target(%dma_start3A_14 : memref<10240x128xf32, #tpu.memory_space<vmem_shared>>) offsets(%dma_start3A_11 : memref<125xi32, #tpu.memory_space<vmem>>) semaphore(%run_scoped3A_9 : memref<!tpu.dma_semaphore, #tpu.memory_space<semaphore_mem>>) {add = true}
        %dma_wait3A = arith.constant 0 : i32
        %dma_wait3A_15 = tpu.memref_slice %arg6[%run_scoped3A, %dma_wait3A] : memref<2x125xi32, #tpu.memory_space<vmem>> -> memref<1x125xi32, #tpu.memory_space<vmem>>
        %dma_wait3A_16 = tpu.memref_squeeze %dma_wait3A_15 : memref<1x125xi32, #tpu.memory_space<vmem>> -> memref<125xi32, #tpu.memory_space<vmem>>
        %dma_wait3A_17 = arith.constant 0 : i32
        %dma_wait3A_18 = arith.constant 0 : i32
        %dma_wait3A_19 = tpu.memref_slice %arg8[%dma_wait3A_17, %dma_wait3A_18] : memref<10240x128xf32, #tpu.memory_space<vmem_shared>> -> memref<10240x128xf32, #tpu.memory_space<vmem_shared>>
        tpu.wait_indirect_dma semaphore(%run_scoped3A_9 : memref<!tpu.dma_semaphore, #tpu.memory_space<semaphore_mem>>) src(%arg7 : memref<125x128xf32, #tpu.memory_space<vmem>>) dst(%dma_wait3A_19 : memref<10240x128xf32, #tpu.memory_space<vmem_shared>>)
        tpu.yield
      }) : () -> ()
    }
    %scan3A_6 = arith.constant 80 : i32
    %barrier3A_7 = arith.constant 0 : index
    tpu.barrier barrier_id(%barrier3A_7)
    "tpu.region"() ({
      %run_scoped3A = tpu.sem_alloc : memref<!tpu.dma_semaphore, #tpu.memory_space<semaphore_mem>>
      %dma_start3A = arith.constant 0 : i32
      %dma_start3A_8 = tpu.memref_slice %arg5[%arg0, %mul3A_2, %dma_start3A] : memref<2x10240x128xf32, #tpu.memory_space<hbm>> -> memref<1x640x128xf32, #tpu.memory_space<hbm>>
      %dma_start3A_9 = tpu.memref_squeeze %dma_start3A_8 : memref<1x640x128xf32, #tpu.memory_space<hbm>> -> memref<640x128xf32, #tpu.memory_space<hbm>>
      %dma_start3A_10 = arith.constant 0 : i32
      %dma_start3A_11 = tpu.memref_slice %arg8[%mul3A_2, %dma_start3A_10] : memref<10240x128xf32, #tpu.memory_space<vmem_shared>> -> memref<640x128xf32, #tpu.memory_space<vmem_shared>>
      tpu.enqueue_dma source(%dma_start3A_11 : memref<640x128xf32, #tpu.memory_space<vmem_shared>>) target(%dma_start3A_9 : memref<640x128xf32, #tpu.memory_space<hbm>>) target_semaphore(%run_scoped3A : memref<!tpu.dma_semaphore, #tpu.memory_space<semaphore_mem>>)
      %dma_wait3A = arith.constant 0 : i32
      %dma_wait3A_12 = tpu.memref_slice %arg5[%arg0, %mul3A_2, %dma_wait3A] : memref<2x10240x128xf32, #tpu.memory_space<hbm>> -> memref<1x640x128xf32, #tpu.memory_space<hbm>>
      %dma_wait3A_13 = tpu.memref_squeeze %dma_wait3A_12 : memref<1x640x128xf32, #tpu.memory_space<hbm>> -> memref<640x128xf32, #tpu.memory_space<hbm>>
      %dma_wait3A_14 = arith.constant 0 : i32
      %dma_wait3A_15 = tpu.memref_slice %arg8[%mul3A_2, %dma_wait3A_14] : memref<10240x128xf32, #tpu.memory_space<vmem_shared>> -> memref<640x128xf32, #tpu.memory_space<vmem_shared>>
      tpu.wait_dma2 semaphore(%run_scoped3A : memref<!tpu.dma_semaphore, #tpu.memory_space<semaphore_mem>>) src(%dma_wait3A_15 : memref<640x128xf32, #tpu.memory_space<vmem_shared>>) dst(%dma_wait3A_13 : memref<640x128xf32, #tpu.memory_space<hbm>>)
      tpu.yield
    }) : () -> ()
    return
  }
}

#map = affine_map<(d0, d1) -> (0, 0)>
#map1 = affine_map<(d0, d1) -> (0, 0, 0, 0)>
#map2 = affine_map<(d0, d1) -> (0, 0, 0)>
module attributes {stable_mosaic.version = 14 : i64} {
  func.func @_agg_body(%arg0: i32, %arg1: i32, %arg2: memref<10000x128xf32, #tpu.memory_space<hbm>>, %arg3: memref<32x80x2x125xi32, #tpu.memory_space<hbm>>, %arg4: memref<640x128xf32, #tpu.memory_space<hbm>>, %arg5: memref<2x10240x128xf32, #tpu.memory_space<hbm>>, %arg6: memref<2x125xi32, #tpu.memory_space<vmem>>, %arg7: memref<2x125xi32, #tpu.memory_space<vmem>>, %arg8: memref<125x128xf32, #tpu.memory_space<vmem>>, %arg9: memref<125x128xf32, #tpu.memory_space<vmem>>, %arg10: memref<10240x128xf32, #tpu.memory_space<vmem_shared>>, %arg11: memref<!tpu.dma_semaphore, #tpu.memory_space<semaphore_mem>>, %arg12: memref<!tpu.dma_semaphore, #tpu.memory_space<semaphore_mem>>) attributes {dimension_semantics = [#tpu.dimension_semantics<core_parallel>, #tpu.dimension_semantics<subcore_parallel>], iteration_bounds = array<i64: 2, 16>, scalar_prefetch = 0 : i64, scratch_operands = 7 : i64, tpu.core_type = #tpu.core_type<sc_vector_subcore>, window_params = [{transform_indices = #map}, {transform_indices = #map1}, {transform_indices = #map}, {transform_indices = #map2}]} {
    %mul3A = arith.constant 16 : i32
    %mul3A_0 = arith.muli %arg0, %mul3A : i32
    %add3A = arith.addi %mul3A_0, %arg1 : i32
    %mul3A_1 = arith.constant 640 : i32
    %mul3A_2 = arith.muli %arg1, %mul3A_1 : i32
    "tpu.region"() ({
      %run_scoped3A_20 = tpu.sem_alloc : memref<!tpu.dma_semaphore, #tpu.memory_space<semaphore_mem>>
      %dma_start3A_21 = arith.constant 0 : i32
      %dma_start3A_22 = tpu.memref_slice %arg10[%mul3A_2, %dma_start3A_21] : memref<10240x128xf32, #tpu.memory_space<vmem_shared>> -> memref<640x128xf32, #tpu.memory_space<vmem_shared>>
      tpu.enqueue_dma source(%arg4 : memref<640x128xf32, #tpu.memory_space<hbm>>) target(%dma_start3A_22 : memref<640x128xf32, #tpu.memory_space<vmem_shared>>) target_semaphore(%run_scoped3A_20 : memref<!tpu.dma_semaphore, #tpu.memory_space<semaphore_mem>>)
      %dma_wait3A_23 = arith.constant 0 : i32
      %dma_wait3A_24 = tpu.memref_slice %arg10[%mul3A_2, %dma_wait3A_23] : memref<10240x128xf32, #tpu.memory_space<vmem_shared>> -> memref<640x128xf32, #tpu.memory_space<vmem_shared>>
      tpu.wait_dma2 semaphore(%run_scoped3A_20 : memref<!tpu.dma_semaphore, #tpu.memory_space<semaphore_mem>>) src(%arg4 : memref<640x128xf32, #tpu.memory_space<hbm>>) dst(%dma_wait3A_24 : memref<640x128xf32, #tpu.memory_space<vmem_shared>>)
      tpu.yield
    }) : () -> ()
    %barrier3A = arith.constant 0 : index
    tpu.barrier barrier_id(%barrier3A)
    %run_scoped3A = arith.constant 0 : i32
    "tpu.region"() ({
      %run_scoped3A_20 = tpu.sem_alloc : memref<!tpu.dma_semaphore, #tpu.memory_space<semaphore_mem>>
      %dma_start3A_21 = arith.constant 0 : i32
      %dma_start3A_22 = arith.constant 0 : i32
      %dma_start3A_23 = tpu.memref_slice %arg3[%add3A, %run_scoped3A, %dma_start3A_21, %dma_start3A_22] : memref<32x80x2x125xi32, #tpu.memory_space<hbm>> -> memref<1x1x2x125xi32, #tpu.memory_space<hbm>>
      %dma_start3A_24 = tpu.memref_squeeze %dma_start3A_23 : memref<1x1x2x125xi32, #tpu.memory_space<hbm>> -> memref<2x125xi32, #tpu.memory_space<hbm>>
      %dma_start3A_25 = arith.constant 0 : i32
      %dma_start3A_26 = arith.constant 0 : i32
      %dma_start3A_27 = tpu.memref_slice %arg3[%add3A, %run_scoped3A, %dma_start3A_25, %dma_start3A_26] : memref<32x80x2x125xi32, #tpu.memory_space<hbm>> -> memref<1x1x2x125xi32, #tpu.memory_space<hbm>>
      %dma_start3A_28 = tpu.memref_squeeze %dma_start3A_27 : memref<1x1x2x125xi32, #tpu.memory_space<hbm>> -> memref<2x125xi32, #tpu.memory_space<hbm>>
      tpu.enqueue_dma source(%dma_start3A_28 : memref<2x125xi32, #tpu.memory_space<hbm>>) target(%arg6 : memref<2x125xi32, #tpu.memory_space<vmem>>) target_semaphore(%run_scoped3A_20 : memref<!tpu.dma_semaphore, #tpu.memory_space<semaphore_mem>>)
      %dma_wait3A_29 = arith.constant 0 : i32
      %dma_wait3A_30 = arith.constant 0 : i32
      %dma_wait3A_31 = tpu.memref_slice %arg3[%add3A, %run_scoped3A, %dma_wait3A_29, %dma_wait3A_30] : memref<32x80x2x125xi32, #tpu.memory_space<hbm>> -> memref<1x1x2x125xi32, #tpu.memory_space<hbm>>
      %dma_wait3A_32 = tpu.memref_squeeze %dma_wait3A_31 : memref<1x1x2x125xi32, #tpu.memory_space<hbm>> -> memref<2x125xi32, #tpu.memory_space<hbm>>
      %dma_wait3A_33 = arith.constant 0 : i32
      %dma_wait3A_34 = arith.constant 0 : i32
      %dma_wait3A_35 = tpu.memref_slice %arg3[%add3A, %run_scoped3A, %dma_wait3A_33, %dma_wait3A_34] : memref<32x80x2x125xi32, #tpu.memory_space<hbm>> -> memref<1x1x2x125xi32, #tpu.memory_space<hbm>>
      %dma_wait3A_36 = tpu.memref_squeeze %dma_wait3A_35 : memref<1x1x2x125xi32, #tpu.memory_space<hbm>> -> memref<2x125xi32, #tpu.memory_space<hbm>>
      tpu.wait_dma2 semaphore(%run_scoped3A_20 : memref<!tpu.dma_semaphore, #tpu.memory_space<semaphore_mem>>) src(%dma_wait3A_36 : memref<2x125xi32, #tpu.memory_space<hbm>>) dst(%arg6 : memref<2x125xi32, #tpu.memory_space<vmem>>)
      tpu.yield
    }) : () -> ()
    %dma_start3A = arith.constant 0 : i32
    %dma_start3A_3 = arith.constant 0 : i32
    %dma_start3A_4 = tpu.memref_slice %arg6[%dma_start3A, %dma_start3A_3] : memref<2x125xi32, #tpu.memory_space<vmem>> -> memref<1x125xi32, #tpu.memory_space<vmem>>
    %dma_start3A_5 = tpu.memref_squeeze %dma_start3A_4 : memref<1x125xi32, #tpu.memory_space<vmem>> -> memref<125xi32, #tpu.memory_space<vmem>>
    %dma_start3A_6 = arith.constant 0 : i32
    %dma_start3A_7 = arith.constant 0 : i32
    %dma_start3A_8 = tpu.memref_slice %arg2[%dma_start3A_6, %dma_start3A_7] : memref<10000x128xf32, #tpu.memory_space<hbm>> -> memref<10000x128xf32, #tpu.memory_space<hbm>>
    tpu.enqueue_indirect_dma source(%dma_start3A_8 : memref<10000x128xf32, #tpu.memory_space<hbm>>) target(%arg8 : memref<125x128xf32, #tpu.memory_space<vmem>>) offsets(%dma_start3A_5 : memref<125xi32, #tpu.memory_space<vmem>>) semaphore(%arg11 : memref<!tpu.dma_semaphore, #tpu.memory_space<semaphore_mem>>)
    %scan3A = arith.constant 0 : i32
    %scan3A_9 = arith.constant 40 : i32
    %scan3A_10 = arith.addi %scan3A, %scan3A_9 : i32
    %scan3A_11 = arith.constant 1 : i32
    scf.for %scan3A_20 = %scan3A to %scan3A_10 step %scan3A_11  : i32 {
      %mul3A_21 = arith.constant 2 : i32
      %mul3A_22 = arith.muli %scan3A_20, %mul3A_21 : i32
      %add3A_23 = arith.constant 1 : i32
      %add3A_24 = arith.addi %mul3A_22, %add3A_23 : i32
      "tpu.region"() ({
        %run_scoped3A_58 = tpu.sem_alloc : memref<!tpu.dma_semaphore, #tpu.memory_space<semaphore_mem>>
        %dma_start3A_59 = arith.constant 0 : i32
        %dma_start3A_60 = arith.constant 0 : i32
        %dma_start3A_61 = tpu.memref_slice %arg3[%add3A, %add3A_24, %dma_start3A_59, %dma_start3A_60] : memref<32x80x2x125xi32, #tpu.memory_space<hbm>> -> memref<1x1x2x125xi32, #tpu.memory_space<hbm>>
        %dma_start3A_62 = tpu.memref_squeeze %dma_start3A_61 : memref<1x1x2x125xi32, #tpu.memory_space<hbm>> -> memref<2x125xi32, #tpu.memory_space<hbm>>
        %dma_start3A_63 = arith.constant 0 : i32
        %dma_start3A_64 = arith.constant 0 : i32
        %dma_start3A_65 = tpu.memref_slice %arg3[%add3A, %add3A_24, %dma_start3A_63, %dma_start3A_64] : memref<32x80x2x125xi32, #tpu.memory_space<hbm>> -> memref<1x1x2x125xi32, #tpu.memory_space<hbm>>
        %dma_start3A_66 = tpu.memref_squeeze %dma_start3A_65 : memref<1x1x2x125xi32, #tpu.memory_space<hbm>> -> memref<2x125xi32, #tpu.memory_space<hbm>>
        tpu.enqueue_dma source(%dma_start3A_66 : memref<2x125xi32, #tpu.memory_space<hbm>>) target(%arg7 : memref<2x125xi32, #tpu.memory_space<vmem>>) target_semaphore(%run_scoped3A_58 : memref<!tpu.dma_semaphore, #tpu.memory_space<semaphore_mem>>)
        %dma_wait3A_67 = arith.constant 0 : i32
        %dma_wait3A_68 = arith.constant 0 : i32
        %dma_wait3A_69 = tpu.memref_slice %arg3[%add3A, %add3A_24, %dma_wait3A_67, %dma_wait3A_68] : memref<32x80x2x125xi32, #tpu.memory_space<hbm>> -> memref<1x1x2x125xi32, #tpu.memory_space<hbm>>
        %dma_wait3A_70 = tpu.memref_squeeze %dma_wait3A_69 : memref<1x1x2x125xi32, #tpu.memory_space<hbm>> -> memref<2x125xi32, #tpu.memory_space<hbm>>
        %dma_wait3A_71 = arith.constant 0 : i32
        %dma_wait3A_72 = arith.constant 0 : i32
        %dma_wait3A_73 = tpu.memref_slice %arg3[%add3A, %add3A_24, %dma_wait3A_71, %dma_wait3A_72] : memref<32x80x2x125xi32, #tpu.memory_space<hbm>> -> memref<1x1x2x125xi32, #tpu.memory_space<hbm>>
        %dma_wait3A_74 = tpu.memref_squeeze %dma_wait3A_73 : memref<1x1x2x125xi32, #tpu.memory_space<hbm>> -> memref<2x125xi32, #tpu.memory_space<hbm>>
        tpu.wait_dma2 semaphore(%run_scoped3A_58 : memref<!tpu.dma_semaphore, #tpu.memory_space<semaphore_mem>>) src(%dma_wait3A_74 : memref<2x125xi32, #tpu.memory_space<hbm>>) dst(%arg7 : memref<2x125xi32, #tpu.memory_space<vmem>>)
        tpu.yield
      }) : () -> ()
      %dma_start3A_25 = arith.constant 0 : i32
      %dma_start3A_26 = arith.constant 0 : i32
      %dma_start3A_27 = tpu.memref_slice %arg7[%dma_start3A_25, %dma_start3A_26] : memref<2x125xi32, #tpu.memory_space<vmem>> -> memref<1x125xi32, #tpu.memory_space<vmem>>
      %dma_start3A_28 = tpu.memref_squeeze %dma_start3A_27 : memref<1x125xi32, #tpu.memory_space<vmem>> -> memref<125xi32, #tpu.memory_space<vmem>>
      %dma_start3A_29 = arith.constant 0 : i32
      %dma_start3A_30 = arith.constant 0 : i32
      %dma_start3A_31 = tpu.memref_slice %arg2[%dma_start3A_29, %dma_start3A_30] : memref<10000x128xf32, #tpu.memory_space<hbm>> -> memref<10000x128xf32, #tpu.memory_space<hbm>>
      tpu.enqueue_indirect_dma source(%dma_start3A_31 : memref<10000x128xf32, #tpu.memory_space<hbm>>) target(%arg9 : memref<125x128xf32, #tpu.memory_space<vmem>>) offsets(%dma_start3A_28 : memref<125xi32, #tpu.memory_space<vmem>>) semaphore(%arg12 : memref<!tpu.dma_semaphore, #tpu.memory_space<semaphore_mem>>)
      %dma_wait3A_32 = arith.constant 0 : i32
      %dma_wait3A_33 = arith.constant 0 : i32
      %dma_wait3A_34 = tpu.memref_slice %arg6[%dma_wait3A_32, %dma_wait3A_33] : memref<2x125xi32, #tpu.memory_space<vmem>> -> memref<1x125xi32, #tpu.memory_space<vmem>>
      %dma_wait3A_35 = tpu.memref_squeeze %dma_wait3A_34 : memref<1x125xi32, #tpu.memory_space<vmem>> -> memref<125xi32, #tpu.memory_space<vmem>>
      %dma_wait3A_36 = arith.constant 0 : i32
      %dma_wait3A_37 = arith.constant 0 : i32
      %dma_wait3A_38 = tpu.memref_slice %arg2[%dma_wait3A_36, %dma_wait3A_37] : memref<10000x128xf32, #tpu.memory_space<hbm>> -> memref<10000x128xf32, #tpu.memory_space<hbm>>
      tpu.wait_indirect_dma semaphore(%arg11 : memref<!tpu.dma_semaphore, #tpu.memory_space<semaphore_mem>>) src(%dma_wait3A_38 : memref<10000x128xf32, #tpu.memory_space<hbm>>) dst(%arg8 : memref<125x128xf32, #tpu.memory_space<vmem>>)
      %run_scoped3A_39 = arith.constant 1 : i32
      "tpu.region"() ({
        %run_scoped3A_58 = tpu.sem_alloc : memref<!tpu.dma_semaphore, #tpu.memory_space<semaphore_mem>>
        %dma_start3A_59 = arith.constant 0 : i32
        %dma_start3A_60 = tpu.memref_slice %arg6[%run_scoped3A_39, %dma_start3A_59] : memref<2x125xi32, #tpu.memory_space<vmem>> -> memref<1x125xi32, #tpu.memory_space<vmem>>
        %dma_start3A_61 = tpu.memref_squeeze %dma_start3A_60 : memref<1x125xi32, #tpu.memory_space<vmem>> -> memref<125xi32, #tpu.memory_space<vmem>>
        %dma_start3A_62 = arith.constant 0 : i32
        %dma_start3A_63 = arith.constant 0 : i32
        %dma_start3A_64 = tpu.memref_slice %arg10[%dma_start3A_62, %dma_start3A_63] : memref<10240x128xf32, #tpu.memory_space<vmem_shared>> -> memref<10240x128xf32, #tpu.memory_space<vmem_shared>>
        tpu.enqueue_indirect_dma source(%arg8 : memref<125x128xf32, #tpu.memory_space<vmem>>) target(%dma_start3A_64 : memref<10240x128xf32, #tpu.memory_space<vmem_shared>>) offsets(%dma_start3A_61 : memref<125xi32, #tpu.memory_space<vmem>>) semaphore(%run_scoped3A_58 : memref<!tpu.dma_semaphore, #tpu.memory_space<semaphore_mem>>) {add = true}
        %dma_wait3A_65 = arith.constant 0 : i32
        %dma_wait3A_66 = tpu.memref_slice %arg6[%run_scoped3A_39, %dma_wait3A_65] : memref<2x125xi32, #tpu.memory_space<vmem>> -> memref<1x125xi32, #tpu.memory_space<vmem>>
        %dma_wait3A_67 = tpu.memref_squeeze %dma_wait3A_66 : memref<1x125xi32, #tpu.memory_space<vmem>> -> memref<125xi32, #tpu.memory_space<vmem>>
        %dma_wait3A_68 = arith.constant 0 : i32
        %dma_wait3A_69 = arith.constant 0 : i32
        %dma_wait3A_70 = tpu.memref_slice %arg10[%dma_wait3A_68, %dma_wait3A_69] : memref<10240x128xf32, #tpu.memory_space<vmem_shared>> -> memref<10240x128xf32, #tpu.memory_space<vmem_shared>>
        tpu.wait_indirect_dma semaphore(%run_scoped3A_58 : memref<!tpu.dma_semaphore, #tpu.memory_space<semaphore_mem>>) src(%arg8 : memref<125x128xf32, #tpu.memory_space<vmem>>) dst(%dma_wait3A_70 : memref<10240x128xf32, #tpu.memory_space<vmem_shared>>)
        tpu.yield
      }) : () -> ()
      %add3A_40 = arith.constant 2 : i32
      %add3A_41 = arith.addi %mul3A_22, %add3A_40 : i32
      %min3A = arith.constant 79 : i32
      %min3A_42 = arith.minsi %add3A_41, %min3A : i32
      "tpu.region"() ({
        %run_scoped3A_58 = tpu.sem_alloc : memref<!tpu.dma_semaphore, #tpu.memory_space<semaphore_mem>>
        %dma_start3A_59 = arith.constant 0 : i32
        %dma_start3A_60 = arith.constant 0 : i32
        %dma_start3A_61 = tpu.memref_slice %arg3[%add3A, %min3A_42, %dma_start3A_59, %dma_start3A_60] : memref<32x80x2x125xi32, #tpu.memory_space<hbm>> -> memref<1x1x2x125xi32, #tpu.memory_space<hbm>>
        %dma_start3A_62 = tpu.memref_squeeze %dma_start3A_61 : memref<1x1x2x125xi32, #tpu.memory_space<hbm>> -> memref<2x125xi32, #tpu.memory_space<hbm>>
        %dma_start3A_63 = arith.constant 0 : i32
        %dma_start3A_64 = arith.constant 0 : i32
        %dma_start3A_65 = tpu.memref_slice %arg3[%add3A, %min3A_42, %dma_start3A_63, %dma_start3A_64] : memref<32x80x2x125xi32, #tpu.memory_space<hbm>> -> memref<1x1x2x125xi32, #tpu.memory_space<hbm>>
        %dma_start3A_66 = tpu.memref_squeeze %dma_start3A_65 : memref<1x1x2x125xi32, #tpu.memory_space<hbm>> -> memref<2x125xi32, #tpu.memory_space<hbm>>
        tpu.enqueue_dma source(%dma_start3A_66 : memref<2x125xi32, #tpu.memory_space<hbm>>) target(%arg6 : memref<2x125xi32, #tpu.memory_space<vmem>>) target_semaphore(%run_scoped3A_58 : memref<!tpu.dma_semaphore, #tpu.memory_space<semaphore_mem>>)
        %dma_wait3A_67 = arith.constant 0 : i32
        %dma_wait3A_68 = arith.constant 0 : i32
        %dma_wait3A_69 = tpu.memref_slice %arg3[%add3A, %min3A_42, %dma_wait3A_67, %dma_wait3A_68] : memref<32x80x2x125xi32, #tpu.memory_space<hbm>> -> memref<1x1x2x125xi32, #tpu.memory_space<hbm>>
        %dma_wait3A_70 = tpu.memref_squeeze %dma_wait3A_69 : memref<1x1x2x125xi32, #tpu.memory_space<hbm>> -> memref<2x125xi32, #tpu.memory_space<hbm>>
        %dma_wait3A_71 = arith.constant 0 : i32
        %dma_wait3A_72 = arith.constant 0 : i32
        %dma_wait3A_73 = tpu.memref_slice %arg3[%add3A, %min3A_42, %dma_wait3A_71, %dma_wait3A_72] : memref<32x80x2x125xi32, #tpu.memory_space<hbm>> -> memref<1x1x2x125xi32, #tpu.memory_space<hbm>>
        %dma_wait3A_74 = tpu.memref_squeeze %dma_wait3A_73 : memref<1x1x2x125xi32, #tpu.memory_space<hbm>> -> memref<2x125xi32, #tpu.memory_space<hbm>>
        tpu.wait_dma2 semaphore(%run_scoped3A_58 : memref<!tpu.dma_semaphore, #tpu.memory_space<semaphore_mem>>) src(%dma_wait3A_74 : memref<2x125xi32, #tpu.memory_space<hbm>>) dst(%arg6 : memref<2x125xi32, #tpu.memory_space<vmem>>)
        tpu.yield
      }) : () -> ()
      %dma_start3A_43 = arith.constant 0 : i32
      %dma_start3A_44 = arith.constant 0 : i32
      %dma_start3A_45 = tpu.memref_slice %arg6[%dma_start3A_43, %dma_start3A_44] : memref<2x125xi32, #tpu.memory_space<vmem>> -> memref<1x125xi32, #tpu.memory_space<vmem>>
      %dma_start3A_46 = tpu.memref_squeeze %dma_start3A_45 : memref<1x125xi32, #tpu.memory_space<vmem>> -> memref<125xi32, #tpu.memory_space<vmem>>
      %dma_start3A_47 = arith.constant 0 : i32
      %dma_start3A_48 = arith.constant 0 : i32
      %dma_start3A_49 = tpu.memref_slice %arg2[%dma_start3A_47, %dma_start3A_48] : memref<10000x128xf32, #tpu.memory_space<hbm>> -> memref<10000x128xf32, #tpu.memory_space<hbm>>
      tpu.enqueue_indirect_dma source(%dma_start3A_49 : memref<10000x128xf32, #tpu.memory_space<hbm>>) target(%arg8 : memref<125x128xf32, #tpu.memory_space<vmem>>) offsets(%dma_start3A_46 : memref<125xi32, #tpu.memory_space<vmem>>) semaphore(%arg11 : memref<!tpu.dma_semaphore, #tpu.memory_space<semaphore_mem>>)
      %dma_wait3A_50 = arith.constant 0 : i32
      %dma_wait3A_51 = arith.constant 0 : i32
      %dma_wait3A_52 = tpu.memref_slice %arg7[%dma_wait3A_50, %dma_wait3A_51] : memref<2x125xi32, #tpu.memory_space<vmem>> -> memref<1x125xi32, #tpu.memory_space<vmem>>
      %dma_wait3A_53 = tpu.memref_squeeze %dma_wait3A_52 : memref<1x125xi32, #tpu.memory_space<vmem>> -> memref<125xi32, #tpu.memory_space<vmem>>
      %dma_wait3A_54 = arith.constant 0 : i32
      %dma_wait3A_55 = arith.constant 0 : i32
      %dma_wait3A_56 = tpu.memref_slice %arg2[%dma_wait3A_54, %dma_wait3A_55] : memref<10000x128xf32, #tpu.memory_space<hbm>> -> memref<10000x128xf32, #tpu.memory_space<hbm>>
      tpu.wait_indirect_dma semaphore(%arg12 : memref<!tpu.dma_semaphore, #tpu.memory_space<semaphore_mem>>) src(%dma_wait3A_56 : memref<10000x128xf32, #tpu.memory_space<hbm>>) dst(%arg9 : memref<125x128xf32, #tpu.memory_space<vmem>>)
      %run_scoped3A_57 = arith.constant 1 : i32
      "tpu.region"() ({
        %run_scoped3A_58 = tpu.sem_alloc : memref<!tpu.dma_semaphore, #tpu.memory_space<semaphore_mem>>
        %dma_start3A_59 = arith.constant 0 : i32
        %dma_start3A_60 = tpu.memref_slice %arg7[%run_scoped3A_57, %dma_start3A_59] : memref<2x125xi32, #tpu.memory_space<vmem>> -> memref<1x125xi32, #tpu.memory_space<vmem>>
        %dma_start3A_61 = tpu.memref_squeeze %dma_start3A_60 : memref<1x125xi32, #tpu.memory_space<vmem>> -> memref<125xi32, #tpu.memory_space<vmem>>
        %dma_start3A_62 = arith.constant 0 : i32
        %dma_start3A_63 = arith.constant 0 : i32
        %dma_start3A_64 = tpu.memref_slice %arg10[%dma_start3A_62, %dma_start3A_63] : memref<10240x128xf32, #tpu.memory_space<vmem_shared>> -> memref<10240x128xf32, #tpu.memory_space<vmem_shared>>
        tpu.enqueue_indirect_dma source(%arg9 : memref<125x128xf32, #tpu.memory_space<vmem>>) target(%dma_start3A_64 : memref<10240x128xf32, #tpu.memory_space<vmem_shared>>) offsets(%dma_start3A_61 : memref<125xi32, #tpu.memory_space<vmem>>) semaphore(%run_scoped3A_58 : memref<!tpu.dma_semaphore, #tpu.memory_space<semaphore_mem>>) {add = true}
        %dma_wait3A_65 = arith.constant 0 : i32
        %dma_wait3A_66 = tpu.memref_slice %arg7[%run_scoped3A_57, %dma_wait3A_65] : memref<2x125xi32, #tpu.memory_space<vmem>> -> memref<1x125xi32, #tpu.memory_space<vmem>>
        %dma_wait3A_67 = tpu.memref_squeeze %dma_wait3A_66 : memref<1x125xi32, #tpu.memory_space<vmem>> -> memref<125xi32, #tpu.memory_space<vmem>>
        %dma_wait3A_68 = arith.constant 0 : i32
        %dma_wait3A_69 = arith.constant 0 : i32
        %dma_wait3A_70 = tpu.memref_slice %arg10[%dma_wait3A_68, %dma_wait3A_69] : memref<10240x128xf32, #tpu.memory_space<vmem_shared>> -> memref<10240x128xf32, #tpu.memory_space<vmem_shared>>
        tpu.wait_indirect_dma semaphore(%run_scoped3A_58 : memref<!tpu.dma_semaphore, #tpu.memory_space<semaphore_mem>>) src(%arg9 : memref<125x128xf32, #tpu.memory_space<vmem>>) dst(%dma_wait3A_70 : memref<10240x128xf32, #tpu.memory_space<vmem_shared>>)
        tpu.yield
      }) : () -> ()
    }
    %scan3A_12 = arith.constant 40 : i32
    %dma_wait3A = arith.constant 0 : i32
    %dma_wait3A_13 = arith.constant 0 : i32
    %dma_wait3A_14 = tpu.memref_slice %arg6[%dma_wait3A, %dma_wait3A_13] : memref<2x125xi32, #tpu.memory_space<vmem>> -> memref<1x125xi32, #tpu.memory_space<vmem>>
    %dma_wait3A_15 = tpu.memref_squeeze %dma_wait3A_14 : memref<1x125xi32, #tpu.memory_space<vmem>> -> memref<125xi32, #tpu.memory_space<vmem>>
    %dma_wait3A_16 = arith.constant 0 : i32
    %dma_wait3A_17 = arith.constant 0 : i32
    %dma_wait3A_18 = tpu.memref_slice %arg2[%dma_wait3A_16, %dma_wait3A_17] : memref<10000x128xf32, #tpu.memory_space<hbm>> -> memref<10000x128xf32, #tpu.memory_space<hbm>>
    tpu.wait_indirect_dma semaphore(%arg11 : memref<!tpu.dma_semaphore, #tpu.memory_space<semaphore_mem>>) src(%dma_wait3A_18 : memref<10000x128xf32, #tpu.memory_space<hbm>>) dst(%arg8 : memref<125x128xf32, #tpu.memory_space<vmem>>)
    %barrier3A_19 = arith.constant 0 : index
    tpu.barrier barrier_id(%barrier3A_19)
    "tpu.region"() ({
      %run_scoped3A_20 = tpu.sem_alloc : memref<!tpu.dma_semaphore, #tpu.memory_space<semaphore_mem>>
      %dma_start3A_21 = arith.constant 0 : i32
      %dma_start3A_22 = tpu.memref_slice %arg5[%arg0, %mul3A_2, %dma_start3A_21] : memref<2x10240x128xf32, #tpu.memory_space<hbm>> -> memref<1x640x128xf32, #tpu.memory_space<hbm>>
      %dma_start3A_23 = tpu.memref_squeeze %dma_start3A_22 : memref<1x640x128xf32, #tpu.memory_space<hbm>> -> memref<640x128xf32, #tpu.memory_space<hbm>>
      %dma_start3A_24 = arith.constant 0 : i32
      %dma_start3A_25 = tpu.memref_slice %arg10[%mul3A_2, %dma_start3A_24] : memref<10240x128xf32, #tpu.memory_space<vmem_shared>> -> memref<640x128xf32, #tpu.memory_space<vmem_shared>>
      tpu.enqueue_dma source(%dma_start3A_25 : memref<640x128xf32, #tpu.memory_space<vmem_shared>>) target(%dma_start3A_23 : memref<640x128xf32, #tpu.memory_space<hbm>>) target_semaphore(%run_scoped3A_20 : memref<!tpu.dma_semaphore, #tpu.memory_space<semaphore_mem>>)
      %dma_wait3A_26 = arith.constant 0 : i32
      %dma_wait3A_27 = tpu.memref_slice %arg5[%arg0, %mul3A_2, %dma_wait3A_26] : memref<2x10240x128xf32, #tpu.memory_space<hbm>> -> memref<1x640x128xf32, #tpu.memory_space<hbm>>
      %dma_wait3A_28 = tpu.memref_squeeze %dma_wait3A_27 : memref<1x640x128xf32, #tpu.memory_space<hbm>> -> memref<640x128xf32, #tpu.memory_space<hbm>>
      %dma_wait3A_29 = arith.constant 0 : i32
      %dma_wait3A_30 = tpu.memref_slice %arg10[%mul3A_2, %dma_wait3A_29] : memref<10240x128xf32, #tpu.memory_space<vmem_shared>> -> memref<640x128xf32, #tpu.memory_space<vmem_shared>>
      tpu.wait_dma2 semaphore(%run_scoped3A_20 : memref<!tpu.dma_semaphore, #tpu.memory_space<semaphore_mem>>) src(%dma_wait3A_30 : memref<640x128xf32, #tpu.memory_space<vmem_shared>>) dst(%dma_wait3A_28 : memref<640x128xf32, #tpu.memory_space<hbm>>)
      tpu.yield
    }) : () -> ()
    return
  }
}

#map = affine_map<(d0, d1) -> (0, 0)>
#map1 = affine_map<(d0, d1) -> (0, 0, 0, 0)>
#map2 = affine_map<(d0, d1) -> (0, 0, 0)>
module attributes {stable_mosaic.version = 14 : i64} {
  func.func @_agg_body(%arg0: i32, %arg1: i32, %arg2: memref<10000x128xf32, #tpu.memory_space<hbm>>, %arg3: memref<32x80x2x125xi32, #tpu.memory_space<hbm>>, %arg4: memref<640x128xf32, #tpu.memory_space<hbm>>, %arg5: memref<2x10240x128xf32, #tpu.memory_space<hbm>>, %arg6: memref<2x125xi32, #tpu.memory_space<vmem>>, %arg7: memref<2x125xi32, #tpu.memory_space<vmem>>, %arg8: memref<125x128xf32, #tpu.memory_space<vmem>>, %arg9: memref<125x128xf32, #tpu.memory_space<vmem>>, %arg10: memref<10240x128xf32, #tpu.memory_space<vmem_shared>>, %arg11: memref<!tpu.dma_semaphore, #tpu.memory_space<semaphore_mem>>, %arg12: memref<!tpu.dma_semaphore, #tpu.memory_space<semaphore_mem>>) attributes {dimension_semantics = [#tpu.dimension_semantics<core_parallel>, #tpu.dimension_semantics<subcore_parallel>], iteration_bounds = array<i64: 2, 16>, scalar_prefetch = 0 : i64, scratch_operands = 7 : i64, tpu.core_type = #tpu.core_type<sc_vector_subcore>, window_params = [{transform_indices = #map}, {transform_indices = #map1}, {transform_indices = #map}, {transform_indices = #map2}]} {
    %mul3A = arith.constant 16 : i32
    %mul3A_0 = arith.muli %arg0, %mul3A : i32
    %add3A = arith.addi %mul3A_0, %arg1 : i32
    %mul3A_1 = arith.constant 640 : i32
    %mul3A_2 = arith.muli %arg1, %mul3A_1 : i32
    "tpu.region"() ({
      %run_scoped3A_20 = tpu.sem_alloc : memref<!tpu.dma_semaphore, #tpu.memory_space<semaphore_mem>>
      %dma_start3A_21 = arith.constant 0 : i32
      %dma_start3A_22 = tpu.memref_slice %arg10[%mul3A_2, %dma_start3A_21] : memref<10240x128xf32, #tpu.memory_space<vmem_shared>> -> memref<640x128xf32, #tpu.memory_space<vmem_shared>>
      tpu.enqueue_dma source(%arg4 : memref<640x128xf32, #tpu.memory_space<hbm>>) target(%dma_start3A_22 : memref<640x128xf32, #tpu.memory_space<vmem_shared>>) target_semaphore(%run_scoped3A_20 : memref<!tpu.dma_semaphore, #tpu.memory_space<semaphore_mem>>)
      %dma_wait3A_23 = arith.constant 0 : i32
      %dma_wait3A_24 = tpu.memref_slice %arg10[%mul3A_2, %dma_wait3A_23] : memref<10240x128xf32, #tpu.memory_space<vmem_shared>> -> memref<640x128xf32, #tpu.memory_space<vmem_shared>>
      tpu.wait_dma2 semaphore(%run_scoped3A_20 : memref<!tpu.dma_semaphore, #tpu.memory_space<semaphore_mem>>) src(%arg4 : memref<640x128xf32, #tpu.memory_space<hbm>>) dst(%dma_wait3A_24 : memref<640x128xf32, #tpu.memory_space<vmem_shared>>)
      tpu.yield
    }) : () -> ()
    %barrier3A = arith.constant 0 : index
    tpu.barrier barrier_id(%barrier3A)
    %run_scoped3A = arith.constant 0 : i32
    "tpu.region"() ({
      %run_scoped3A_20 = tpu.sem_alloc : memref<!tpu.dma_semaphore, #tpu.memory_space<semaphore_mem>>
      %dma_start3A_21 = arith.constant 0 : i32
      %dma_start3A_22 = arith.constant 0 : i32
      %dma_start3A_23 = tpu.memref_slice %arg3[%add3A, %run_scoped3A, %dma_start3A_21, %dma_start3A_22] : memref<32x80x2x125xi32, #tpu.memory_space<hbm>> -> memref<1x1x2x125xi32, #tpu.memory_space<hbm>>
      %dma_start3A_24 = tpu.memref_squeeze %dma_start3A_23 : memref<1x1x2x125xi32, #tpu.memory_space<hbm>> -> memref<2x125xi32, #tpu.memory_space<hbm>>
      %dma_start3A_25 = arith.constant 0 : i32
      %dma_start3A_26 = arith.constant 0 : i32
      %dma_start3A_27 = tpu.memref_slice %arg3[%add3A, %run_scoped3A, %dma_start3A_25, %dma_start3A_26] : memref<32x80x2x125xi32, #tpu.memory_space<hbm>> -> memref<1x1x2x125xi32, #tpu.memory_space<hbm>>
      %dma_start3A_28 = tpu.memref_squeeze %dma_start3A_27 : memref<1x1x2x125xi32, #tpu.memory_space<hbm>> -> memref<2x125xi32, #tpu.memory_space<hbm>>
      tpu.enqueue_dma source(%dma_start3A_28 : memref<2x125xi32, #tpu.memory_space<hbm>>) target(%arg6 : memref<2x125xi32, #tpu.memory_space<vmem>>) target_semaphore(%run_scoped3A_20 : memref<!tpu.dma_semaphore, #tpu.memory_space<semaphore_mem>>)
      %dma_wait3A_29 = arith.constant 0 : i32
      %dma_wait3A_30 = arith.constant 0 : i32
      %dma_wait3A_31 = tpu.memref_slice %arg3[%add3A, %run_scoped3A, %dma_wait3A_29, %dma_wait3A_30] : memref<32x80x2x125xi32, #tpu.memory_space<hbm>> -> memref<1x1x2x125xi32, #tpu.memory_space<hbm>>
      %dma_wait3A_32 = tpu.memref_squeeze %dma_wait3A_31 : memref<1x1x2x125xi32, #tpu.memory_space<hbm>> -> memref<2x125xi32, #tpu.memory_space<hbm>>
      %dma_wait3A_33 = arith.constant 0 : i32
      %dma_wait3A_34 = arith.constant 0 : i32
      %dma_wait3A_35 = tpu.memref_slice %arg3[%add3A, %run_scoped3A, %dma_wait3A_33, %dma_wait3A_34] : memref<32x80x2x125xi32, #tpu.memory_space<hbm>> -> memref<1x1x2x125xi32, #tpu.memory_space<hbm>>
      %dma_wait3A_36 = tpu.memref_squeeze %dma_wait3A_35 : memref<1x1x2x125xi32, #tpu.memory_space<hbm>> -> memref<2x125xi32, #tpu.memory_space<hbm>>
      tpu.wait_dma2 semaphore(%run_scoped3A_20 : memref<!tpu.dma_semaphore, #tpu.memory_space<semaphore_mem>>) src(%dma_wait3A_36 : memref<2x125xi32, #tpu.memory_space<hbm>>) dst(%arg6 : memref<2x125xi32, #tpu.memory_space<vmem>>)
      tpu.yield
    }) : () -> ()
    %dma_start3A = arith.constant 0 : i32
    %dma_start3A_3 = arith.constant 0 : i32
    %dma_start3A_4 = tpu.memref_slice %arg6[%dma_start3A, %dma_start3A_3] : memref<2x125xi32, #tpu.memory_space<vmem>> -> memref<1x125xi32, #tpu.memory_space<vmem>>
    %dma_start3A_5 = tpu.memref_squeeze %dma_start3A_4 : memref<1x125xi32, #tpu.memory_space<vmem>> -> memref<125xi32, #tpu.memory_space<vmem>>
    %dma_start3A_6 = arith.constant 0 : i32
    %dma_start3A_7 = arith.constant 0 : i32
    %dma_start3A_8 = tpu.memref_slice %arg2[%dma_start3A_6, %dma_start3A_7] : memref<10000x128xf32, #tpu.memory_space<hbm>> -> memref<10000x128xf32, #tpu.memory_space<hbm>>
    tpu.enqueue_indirect_dma source(%dma_start3A_8 : memref<10000x128xf32, #tpu.memory_space<hbm>>) target(%arg8 : memref<125x128xf32, #tpu.memory_space<vmem>>) offsets(%dma_start3A_5 : memref<125xi32, #tpu.memory_space<vmem>>) semaphore(%arg11 : memref<!tpu.dma_semaphore, #tpu.memory_space<semaphore_mem>>)
    %scan3A = arith.constant 0 : i32
    %scan3A_9 = arith.constant 40 : i32
    %scan3A_10 = arith.addi %scan3A, %scan3A_9 : i32
    %scan3A_11 = arith.constant 1 : i32
    scf.for %scan3A_20 = %scan3A to %scan3A_10 step %scan3A_11  : i32 {
      %mul3A_21 = arith.constant 2 : i32
      %mul3A_22 = arith.muli %scan3A_20, %mul3A_21 : i32
      %add3A_23 = arith.constant 1 : i32
      %add3A_24 = arith.addi %mul3A_22, %add3A_23 : i32
      "tpu.region"() ({
        %run_scoped3A_58 = tpu.sem_alloc : memref<!tpu.dma_semaphore, #tpu.memory_space<semaphore_mem>>
        %dma_start3A_59 = arith.constant 0 : i32
        %dma_start3A_60 = arith.constant 0 : i32
        %dma_start3A_61 = tpu.memref_slice %arg3[%add3A, %add3A_24, %dma_start3A_59, %dma_start3A_60] : memref<32x80x2x125xi32, #tpu.memory_space<hbm>> -> memref<1x1x2x125xi32, #tpu.memory_space<hbm>>
        %dma_start3A_62 = tpu.memref_squeeze %dma_start3A_61 : memref<1x1x2x125xi32, #tpu.memory_space<hbm>> -> memref<2x125xi32, #tpu.memory_space<hbm>>
        %dma_start3A_63 = arith.constant 0 : i32
        %dma_start3A_64 = arith.constant 0 : i32
        %dma_start3A_65 = tpu.memref_slice %arg3[%add3A, %add3A_24, %dma_start3A_63, %dma_start3A_64] : memref<32x80x2x125xi32, #tpu.memory_space<hbm>> -> memref<1x1x2x125xi32, #tpu.memory_space<hbm>>
        %dma_start3A_66 = tpu.memref_squeeze %dma_start3A_65 : memref<1x1x2x125xi32, #tpu.memory_space<hbm>> -> memref<2x125xi32, #tpu.memory_space<hbm>>
        tpu.enqueue_dma source(%dma_start3A_66 : memref<2x125xi32, #tpu.memory_space<hbm>>) target(%arg7 : memref<2x125xi32, #tpu.memory_space<vmem>>) target_semaphore(%run_scoped3A_58 : memref<!tpu.dma_semaphore, #tpu.memory_space<semaphore_mem>>)
        %dma_wait3A_67 = arith.constant 0 : i32
        %dma_wait3A_68 = arith.constant 0 : i32
        %dma_wait3A_69 = tpu.memref_slice %arg3[%add3A, %add3A_24, %dma_wait3A_67, %dma_wait3A_68] : memref<32x80x2x125xi32, #tpu.memory_space<hbm>> -> memref<1x1x2x125xi32, #tpu.memory_space<hbm>>
        %dma_wait3A_70 = tpu.memref_squeeze %dma_wait3A_69 : memref<1x1x2x125xi32, #tpu.memory_space<hbm>> -> memref<2x125xi32, #tpu.memory_space<hbm>>
        %dma_wait3A_71 = arith.constant 0 : i32
        %dma_wait3A_72 = arith.constant 0 : i32
        %dma_wait3A_73 = tpu.memref_slice %arg3[%add3A, %add3A_24, %dma_wait3A_71, %dma_wait3A_72] : memref<32x80x2x125xi32, #tpu.memory_space<hbm>> -> memref<1x1x2x125xi32, #tpu.memory_space<hbm>>
        %dma_wait3A_74 = tpu.memref_squeeze %dma_wait3A_73 : memref<1x1x2x125xi32, #tpu.memory_space<hbm>> -> memref<2x125xi32, #tpu.memory_space<hbm>>
        tpu.wait_dma2 semaphore(%run_scoped3A_58 : memref<!tpu.dma_semaphore, #tpu.memory_space<semaphore_mem>>) src(%dma_wait3A_74 : memref<2x125xi32, #tpu.memory_space<hbm>>) dst(%arg7 : memref<2x125xi32, #tpu.memory_space<vmem>>)
        tpu.yield
      }) : () -> ()
      %dma_start3A_25 = arith.constant 0 : i32
      %dma_start3A_26 = arith.constant 0 : i32
      %dma_start3A_27 = tpu.memref_slice %arg7[%dma_start3A_25, %dma_start3A_26] : memref<2x125xi32, #tpu.memory_space<vmem>> -> memref<1x125xi32, #tpu.memory_space<vmem>>
      %dma_start3A_28 = tpu.memref_squeeze %dma_start3A_27 : memref<1x125xi32, #tpu.memory_space<vmem>> -> memref<125xi32, #tpu.memory_space<vmem>>
      %dma_start3A_29 = arith.constant 0 : i32
      %dma_start3A_30 = arith.constant 0 : i32
      %dma_start3A_31 = tpu.memref_slice %arg2[%dma_start3A_29, %dma_start3A_30] : memref<10000x128xf32, #tpu.memory_space<hbm>> -> memref<10000x128xf32, #tpu.memory_space<hbm>>
      tpu.enqueue_indirect_dma source(%dma_start3A_31 : memref<10000x128xf32, #tpu.memory_space<hbm>>) target(%arg9 : memref<125x128xf32, #tpu.memory_space<vmem>>) offsets(%dma_start3A_28 : memref<125xi32, #tpu.memory_space<vmem>>) semaphore(%arg12 : memref<!tpu.dma_semaphore, #tpu.memory_space<semaphore_mem>>)
      %dma_wait3A_32 = arith.constant 0 : i32
      %dma_wait3A_33 = arith.constant 0 : i32
      %dma_wait3A_34 = tpu.memref_slice %arg6[%dma_wait3A_32, %dma_wait3A_33] : memref<2x125xi32, #tpu.memory_space<vmem>> -> memref<1x125xi32, #tpu.memory_space<vmem>>
      %dma_wait3A_35 = tpu.memref_squeeze %dma_wait3A_34 : memref<1x125xi32, #tpu.memory_space<vmem>> -> memref<125xi32, #tpu.memory_space<vmem>>
      %dma_wait3A_36 = arith.constant 0 : i32
      %dma_wait3A_37 = arith.constant 0 : i32
      %dma_wait3A_38 = tpu.memref_slice %arg2[%dma_wait3A_36, %dma_wait3A_37] : memref<10000x128xf32, #tpu.memory_space<hbm>> -> memref<10000x128xf32, #tpu.memory_space<hbm>>
      tpu.wait_indirect_dma semaphore(%arg11 : memref<!tpu.dma_semaphore, #tpu.memory_space<semaphore_mem>>) src(%dma_wait3A_38 : memref<10000x128xf32, #tpu.memory_space<hbm>>) dst(%arg8 : memref<125x128xf32, #tpu.memory_space<vmem>>)
      %run_scoped3A_39 = arith.constant 1 : i32
      "tpu.region"() ({
        %run_scoped3A_58 = tpu.sem_alloc : memref<!tpu.dma_semaphore, #tpu.memory_space<semaphore_mem>>
        %dma_start3A_59 = arith.constant 0 : i32
        %dma_start3A_60 = tpu.memref_slice %arg6[%run_scoped3A_39, %dma_start3A_59] : memref<2x125xi32, #tpu.memory_space<vmem>> -> memref<1x125xi32, #tpu.memory_space<vmem>>
        %dma_start3A_61 = tpu.memref_squeeze %dma_start3A_60 : memref<1x125xi32, #tpu.memory_space<vmem>> -> memref<125xi32, #tpu.memory_space<vmem>>
        %dma_start3A_62 = arith.constant 0 : i32
        %dma_start3A_63 = arith.constant 0 : i32
        %dma_start3A_64 = tpu.memref_slice %arg10[%dma_start3A_62, %dma_start3A_63] : memref<10240x128xf32, #tpu.memory_space<vmem_shared>> -> memref<10240x128xf32, #tpu.memory_space<vmem_shared>>
        tpu.enqueue_indirect_dma source(%arg8 : memref<125x128xf32, #tpu.memory_space<vmem>>) target(%dma_start3A_64 : memref<10240x128xf32, #tpu.memory_space<vmem_shared>>) offsets(%dma_start3A_61 : memref<125xi32, #tpu.memory_space<vmem>>) semaphore(%run_scoped3A_58 : memref<!tpu.dma_semaphore, #tpu.memory_space<semaphore_mem>>) {add = true}
        %dma_wait3A_65 = arith.constant 0 : i32
        %dma_wait3A_66 = tpu.memref_slice %arg6[%run_scoped3A_39, %dma_wait3A_65] : memref<2x125xi32, #tpu.memory_space<vmem>> -> memref<1x125xi32, #tpu.memory_space<vmem>>
        %dma_wait3A_67 = tpu.memref_squeeze %dma_wait3A_66 : memref<1x125xi32, #tpu.memory_space<vmem>> -> memref<125xi32, #tpu.memory_space<vmem>>
        %dma_wait3A_68 = arith.constant 0 : i32
        %dma_wait3A_69 = arith.constant 0 : i32
        %dma_wait3A_70 = tpu.memref_slice %arg10[%dma_wait3A_68, %dma_wait3A_69] : memref<10240x128xf32, #tpu.memory_space<vmem_shared>> -> memref<10240x128xf32, #tpu.memory_space<vmem_shared>>
        tpu.wait_indirect_dma semaphore(%run_scoped3A_58 : memref<!tpu.dma_semaphore, #tpu.memory_space<semaphore_mem>>) src(%arg8 : memref<125x128xf32, #tpu.memory_space<vmem>>) dst(%dma_wait3A_70 : memref<10240x128xf32, #tpu.memory_space<vmem_shared>>)
        tpu.yield
      }) : () -> ()
      %add3A_40 = arith.constant 2 : i32
      %add3A_41 = arith.addi %mul3A_22, %add3A_40 : i32
      %min3A = arith.constant 79 : i32
      %min3A_42 = arith.minsi %add3A_41, %min3A : i32
      "tpu.region"() ({
        %run_scoped3A_58 = tpu.sem_alloc : memref<!tpu.dma_semaphore, #tpu.memory_space<semaphore_mem>>
        %dma_start3A_59 = arith.constant 0 : i32
        %dma_start3A_60 = arith.constant 0 : i32
        %dma_start3A_61 = tpu.memref_slice %arg3[%add3A, %min3A_42, %dma_start3A_59, %dma_start3A_60] : memref<32x80x2x125xi32, #tpu.memory_space<hbm>> -> memref<1x1x2x125xi32, #tpu.memory_space<hbm>>
        %dma_start3A_62 = tpu.memref_squeeze %dma_start3A_61 : memref<1x1x2x125xi32, #tpu.memory_space<hbm>> -> memref<2x125xi32, #tpu.memory_space<hbm>>
        %dma_start3A_63 = arith.constant 0 : i32
        %dma_start3A_64 = arith.constant 0 : i32
        %dma_start3A_65 = tpu.memref_slice %arg3[%add3A, %min3A_42, %dma_start3A_63, %dma_start3A_64] : memref<32x80x2x125xi32, #tpu.memory_space<hbm>> -> memref<1x1x2x125xi32, #tpu.memory_space<hbm>>
        %dma_start3A_66 = tpu.memref_squeeze %dma_start3A_65 : memref<1x1x2x125xi32, #tpu.memory_space<hbm>> -> memref<2x125xi32, #tpu.memory_space<hbm>>
        tpu.enqueue_dma source(%dma_start3A_66 : memref<2x125xi32, #tpu.memory_space<hbm>>) target(%arg6 : memref<2x125xi32, #tpu.memory_space<vmem>>) target_semaphore(%run_scoped3A_58 : memref<!tpu.dma_semaphore, #tpu.memory_space<semaphore_mem>>)
        %dma_wait3A_67 = arith.constant 0 : i32
        %dma_wait3A_68 = arith.constant 0 : i32
        %dma_wait3A_69 = tpu.memref_slice %arg3[%add3A, %min3A_42, %dma_wait3A_67, %dma_wait3A_68] : memref<32x80x2x125xi32, #tpu.memory_space<hbm>> -> memref<1x1x2x125xi32, #tpu.memory_space<hbm>>
        %dma_wait3A_70 = tpu.memref_squeeze %dma_wait3A_69 : memref<1x1x2x125xi32, #tpu.memory_space<hbm>> -> memref<2x125xi32, #tpu.memory_space<hbm>>
        %dma_wait3A_71 = arith.constant 0 : i32
        %dma_wait3A_72 = arith.constant 0 : i32
        %dma_wait3A_73 = tpu.memref_slice %arg3[%add3A, %min3A_42, %dma_wait3A_71, %dma_wait3A_72] : memref<32x80x2x125xi32, #tpu.memory_space<hbm>> -> memref<1x1x2x125xi32, #tpu.memory_space<hbm>>
        %dma_wait3A_74 = tpu.memref_squeeze %dma_wait3A_73 : memref<1x1x2x125xi32, #tpu.memory_space<hbm>> -> memref<2x125xi32, #tpu.memory_space<hbm>>
        tpu.wait_dma2 semaphore(%run_scoped3A_58 : memref<!tpu.dma_semaphore, #tpu.memory_space<semaphore_mem>>) src(%dma_wait3A_74 : memref<2x125xi32, #tpu.memory_space<hbm>>) dst(%arg6 : memref<2x125xi32, #tpu.memory_space<vmem>>)
        tpu.yield
      }) : () -> ()
      %dma_start3A_43 = arith.constant 0 : i32
      %dma_start3A_44 = arith.constant 0 : i32
      %dma_start3A_45 = tpu.memref_slice %arg6[%dma_start3A_43, %dma_start3A_44] : memref<2x125xi32, #tpu.memory_space<vmem>> -> memref<1x125xi32, #tpu.memory_space<vmem>>
      %dma_start3A_46 = tpu.memref_squeeze %dma_start3A_45 : memref<1x125xi32, #tpu.memory_space<vmem>> -> memref<125xi32, #tpu.memory_space<vmem>>
      %dma_start3A_47 = arith.constant 0 : i32
      %dma_start3A_48 = arith.constant 0 : i32
      %dma_start3A_49 = tpu.memref_slice %arg2[%dma_start3A_47, %dma_start3A_48] : memref<10000x128xf32, #tpu.memory_space<hbm>> -> memref<10000x128xf32, #tpu.memory_space<hbm>>
      tpu.enqueue_indirect_dma source(%dma_start3A_49 : memref<10000x128xf32, #tpu.memory_space<hbm>>) target(%arg8 : memref<125x128xf32, #tpu.memory_space<vmem>>) offsets(%dma_start3A_46 : memref<125xi32, #tpu.memory_space<vmem>>) semaphore(%arg11 : memref<!tpu.dma_semaphore, #tpu.memory_space<semaphore_mem>>)
      %dma_wait3A_50 = arith.constant 0 : i32
      %dma_wait3A_51 = arith.constant 0 : i32
      %dma_wait3A_52 = tpu.memref_slice %arg7[%dma_wait3A_50, %dma_wait3A_51] : memref<2x125xi32, #tpu.memory_space<vmem>> -> memref<1x125xi32, #tpu.memory_space<vmem>>
      %dma_wait3A_53 = tpu.memref_squeeze %dma_wait3A_52 : memref<1x125xi32, #tpu.memory_space<vmem>> -> memref<125xi32, #tpu.memory_space<vmem>>
      %dma_wait3A_54 = arith.constant 0 : i32
      %dma_wait3A_55 = arith.constant 0 : i32
      %dma_wait3A_56 = tpu.memref_slice %arg2[%dma_wait3A_54, %dma_wait3A_55] : memref<10000x128xf32, #tpu.memory_space<hbm>> -> memref<10000x128xf32, #tpu.memory_space<hbm>>
      tpu.wait_indirect_dma semaphore(%arg12 : memref<!tpu.dma_semaphore, #tpu.memory_space<semaphore_mem>>) src(%dma_wait3A_56 : memref<10000x128xf32, #tpu.memory_space<hbm>>) dst(%arg9 : memref<125x128xf32, #tpu.memory_space<vmem>>)
      %run_scoped3A_57 = arith.constant 1 : i32
      "tpu.region"() ({
        %run_scoped3A_58 = tpu.sem_alloc : memref<!tpu.dma_semaphore, #tpu.memory_space<semaphore_mem>>
        %dma_start3A_59 = arith.constant 0 : i32
        %dma_start3A_60 = tpu.memref_slice %arg7[%run_scoped3A_57, %dma_start3A_59] : memref<2x125xi32, #tpu.memory_space<vmem>> -> memref<1x125xi32, #tpu.memory_space<vmem>>
        %dma_start3A_61 = tpu.memref_squeeze %dma_start3A_60 : memref<1x125xi32, #tpu.memory_space<vmem>> -> memref<125xi32, #tpu.memory_space<vmem>>
        %dma_start3A_62 = arith.constant 0 : i32
        %dma_start3A_63 = arith.constant 0 : i32
        %dma_start3A_64 = tpu.memref_slice %arg10[%dma_start3A_62, %dma_start3A_63] : memref<10240x128xf32, #tpu.memory_space<vmem_shared>> -> memref<10240x128xf32, #tpu.memory_space<vmem_shared>>
        tpu.enqueue_indirect_dma source(%arg9 : memref<125x128xf32, #tpu.memory_space<vmem>>) target(%dma_start3A_64 : memref<10240x128xf32, #tpu.memory_space<vmem_shared>>) offsets(%dma_start3A_61 : memref<125xi32, #tpu.memory_space<vmem>>) semaphore(%run_scoped3A_58 : memref<!tpu.dma_semaphore, #tpu.memory_space<semaphore_mem>>) {add = true}
        %dma_wait3A_65 = arith.constant 0 : i32
        %dma_wait3A_66 = tpu.memref_slice %arg7[%run_scoped3A_57, %dma_wait3A_65] : memref<2x125xi32, #tpu.memory_space<vmem>> -> memref<1x125xi32, #tpu.memory_space<vmem>>
        %dma_wait3A_67 = tpu.memref_squeeze %dma_wait3A_66 : memref<1x125xi32, #tpu.memory_space<vmem>> -> memref<125xi32, #tpu.memory_space<vmem>>
        %dma_wait3A_68 = arith.constant 0 : i32
        %dma_wait3A_69 = arith.constant 0 : i32
        %dma_wait3A_70 = tpu.memref_slice %arg10[%dma_wait3A_68, %dma_wait3A_69] : memref<10240x128xf32, #tpu.memory_space<vmem_shared>> -> memref<10240x128xf32, #tpu.memory_space<vmem_shared>>
        tpu.wait_indirect_dma semaphore(%run_scoped3A_58 : memref<!tpu.dma_semaphore, #tpu.memory_space<semaphore_mem>>) src(%arg9 : memref<125x128xf32, #tpu.memory_space<vmem>>) dst(%dma_wait3A_70 : memref<10240x128xf32, #tpu.memory_space<vmem_shared>>)
        tpu.yield
      }) : () -> ()
    }
    %scan3A_12 = arith.constant 40 : i32
    %dma_wait3A = arith.constant 0 : i32
    %dma_wait3A_13 = arith.constant 0 : i32
    %dma_wait3A_14 = tpu.memref_slice %arg6[%dma_wait3A, %dma_wait3A_13] : memref<2x125xi32, #tpu.memory_space<vmem>> -> memref<1x125xi32, #tpu.memory_space<vmem>>
    %dma_wait3A_15 = tpu.memref_squeeze %dma_wait3A_14 : memref<1x125xi32, #tpu.memory_space<vmem>> -> memref<125xi32, #tpu.memory_space<vmem>>
    %dma_wait3A_16 = arith.constant 0 : i32
    %dma_wait3A_17 = arith.constant 0 : i32
    %dma_wait3A_18 = tpu.memref_slice %arg2[%dma_wait3A_16, %dma_wait3A_17] : memref<10000x128xf32, #tpu.memory_space<hbm>> -> memref<10000x128xf32, #tpu.memory_space<hbm>>
    tpu.wait_indirect_dma semaphore(%arg11 : memref<!tpu.dma_semaphore, #tpu.memory_space<semaphore_mem>>) src(%dma_wait3A_18 : memref<10000x128xf32, #tpu.memory_space<hbm>>) dst(%arg8 : memref<125x128xf32, #tpu.memory_space<vmem>>)
    %barrier3A_19 = arith.constant 0 : index
    tpu.barrier barrier_id(%barrier3A_19)
    "tpu.region"() ({
      %run_scoped3A_20 = tpu.sem_alloc : memref<!tpu.dma_semaphore, #tpu.memory_space<semaphore_mem>>
      %dma_start3A_21 = arith.constant 0 : i32
      %dma_start3A_22 = tpu.memref_slice %arg5[%arg0, %mul3A_2, %dma_start3A_21] : memref<2x10240x128xf32, #tpu.memory_space<hbm>> -> memref<1x640x128xf32, #tpu.memory_space<hbm>>
      %dma_start3A_23 = tpu.memref_squeeze %dma_start3A_22 : memref<1x640x128xf32, #tpu.memory_space<hbm>> -> memref<640x128xf32, #tpu.memory_space<hbm>>
      %dma_start3A_24 = arith.constant 0 : i32
      %dma_start3A_25 = tpu.memref_slice %arg10[%mul3A_2, %dma_start3A_24] : memref<10240x128xf32, #tpu.memory_space<vmem_shared>> -> memref<640x128xf32, #tpu.memory_space<vmem_shared>>
      tpu.enqueue_dma source(%dma_start3A_25 : memref<640x128xf32, #tpu.memory_space<vmem_shared>>) target(%dma_start3A_23 : memref<640x128xf32, #tpu.memory_space<hbm>>) target_semaphore(%run_scoped3A_20 : memref<!tpu.dma_semaphore, #tpu.memory_space<semaphore_mem>>)
      %dma_wait3A_26 = arith.constant 0 : i32
      %dma_wait3A_27 = tpu.memref_slice %arg5[%arg0, %mul3A_2, %dma_wait3A_26] : memref<2x10240x128xf32, #tpu.memory_space<hbm>> -> memref<1x640x128xf32, #tpu.memory_space<hbm>>
      %dma_wait3A_28 = tpu.memref_squeeze %dma_wait3A_27 : memref<1x640x128xf32, #tpu.memory_space<hbm>> -> memref<640x128xf32, #tpu.memory_space<hbm>>
      %dma_wait3A_29 = arith.constant 0 : i32
      %dma_wait3A_30 = tpu.memref_slice %arg10[%mul3A_2, %dma_wait3A_29] : memref<10240x128xf32, #tpu.memory_space<vmem_shared>> -> memref<640x128xf32, #tpu.memory_space<vmem_shared>>
      tpu.wait_dma2 semaphore(%run_scoped3A_20 : memref<!tpu.dma_semaphore, #tpu.memory_space<semaphore_mem>>) src(%dma_wait3A_30 : memref<640x128xf32, #tpu.memory_space<vmem_shared>>) dst(%dma_wait3A_28 : memref<640x128xf32, #tpu.memory_space<hbm>>)
      tpu.yield
    }) : () -> ()
    return
  }
}

module attributes {stable_mosaic.version = 14 : i64} {
  func.func @_fuse_body(%arg0: i32, %arg1: memref<2x1000x128xf32, #tpu.memory_space<vmem>>, %arg2: memref<2x1000x128xf32, #tpu.memory_space<vmem>>, %arg3: memref<1000x128xf32, #tpu.memory_space<vmem>>, %arg4: memref<128x128xf32, #tpu.memory_space<vmem>>, %arg5: memref<1x128xf32, #tpu.memory_space<vmem>>, %arg6: memref<128x128xf32, #tpu.memory_space<vmem>>, %arg7: memref<1000x128xf32, #tpu.memory_space<vmem>>) attributes {dimension_semantics = [#tpu.dimension_semantics<arbitrary>], iteration_bounds = array<i64: 10>, scalar_prefetch = 0 : i64, scratch_operands = 0 : i64, tpu.core_type = #tpu.core_type<tc>, window_params = [{transform_indices = @transform_0, window_bounds = array<i64: 2, 1000, 128>}, {transform_indices = @transform_1, window_bounds = array<i64: 2, 1000, 128>}, {transform_indices = @transform_2, window_bounds = array<i64: 1000, 128>}, {pipeline_mode = #tpu.pipeline_mode<synchronous>, transform_indices = @transform_3, window_bounds = array<i64: 128, 128>}, {pipeline_mode = #tpu.pipeline_mode<synchronous>, transform_indices = @transform_4, window_bounds = array<i64: 1, 128>}, {pipeline_mode = #tpu.pipeline_mode<synchronous>, transform_indices = @transform_5, window_bounds = array<i64: 128, 128>}, {transform_indices = @transform_6, window_bounds = array<i64: 1000, 128>}]} {
    %get3A = arith.constant 0 : index
    %get3A_0 = arith.constant 0 : index
    %get3A_1 = arith.constant 0 : index
    %get3A_2 = vector.load %arg2[%get3A, %get3A_0, %get3A_1] : memref<2x1000x128xf32, #tpu.memory_space<vmem>>, vector<1x1000x1xf32>
    %get3A_3 = vector.shape_cast %get3A_2 : vector<1x1000x1xf32> to vector<1000x1xf32>
    %get3A_4 = arith.constant 1 : index
    %get3A_5 = arith.constant 0 : index
    %get3A_6 = arith.constant 0 : index
    %get3A_7 = vector.load %arg2[%get3A_4, %get3A_5, %get3A_6] : memref<2x1000x128xf32, #tpu.memory_space<vmem>>, vector<1x1000x1xf32>
    %get3A_8 = vector.shape_cast %get3A_7 : vector<1x1000x1xf32> to vector<1000x1xf32>
    %add3A = arith.addf %get3A_3, %get3A_8 : vector<1000x1xf32>
    %get3A_9 = arith.constant 0 : index
    %get3A_10 = arith.constant 0 : index
    %get3A_11 = arith.constant 0 : index
    %get3A_12 = vector.load %arg1[%get3A_9, %get3A_10, %get3A_11] : memref<2x1000x128xf32, #tpu.memory_space<vmem>>, vector<1x1000x128xf32>
    %get3A_13 = vector.shape_cast %get3A_12 : vector<1x1000x128xf32> to vector<1000x128xf32>
    %get3A_14 = arith.constant 1 : index
    %get3A_15 = arith.constant 0 : index
    %get3A_16 = arith.constant 0 : index
    %get3A_17 = vector.load %arg1[%get3A_14, %get3A_15, %get3A_16] : memref<2x1000x128xf32, #tpu.memory_space<vmem>>, vector<1x1000x128xf32>
    %get3A_18 = vector.shape_cast %get3A_17 : vector<1x1000x128xf32> to vector<1000x128xf32>
    %add3A_19 = arith.addf %get3A_13, %get3A_18 : vector<1000x128xf32>
    %max3A = arith.constant 1.000000e+00 : f32
    %max3A_20 = vector.broadcast %max3A : f32 to vector<1000x1xf32>
    %max3A_21 = arith.maximumf %add3A, %max3A_20 : vector<1000x1xf32>
    %div3A = vector.broadcast %max3A_21 : vector<1000x1xf32> to vector<1000x128xf32>
    %div3A_22 = arith.divf %add3A_19, %div3A : vector<1000x128xf32>
    %get3A_23 = arith.constant 0 : index
    %get3A_24 = arith.constant 0 : index
    %get3A_25 = vector.load %arg4[%get3A_23, %get3A_24] : memref<128x128xf32, #tpu.memory_space<vmem>>, vector<128x128xf32>
    %dot_general3A = arith.constant dense<0.000000e+00> : vector<1000x128xf32>
    %dot_general3A_26 = tpu.matmul %div3A_22, %get3A_25, %dot_general3A {dimension_numbers = #tpu.dot_dimension_numbers<[1], [0], [0], [1], [0, 0, 1, 1], [], []>, transpose_lhs_hint = false} : vector<1000x128xf32>, vector<128x128xf32>, vector<1000x128xf32> -> vector<1000x128xf32>
    %get3A_27 = arith.constant 0 : index
    %get3A_28 = arith.constant 0 : index
    %get3A_29 = vector.load %arg3[%get3A_27, %get3A_28] : memref<1000x128xf32, #tpu.memory_space<vmem>>, vector<1000x128xf32>
    %get3A_30 = arith.constant 0 : index
    %get3A_31 = arith.constant 0 : index
    %get3A_32 = vector.load %arg6[%get3A_30, %get3A_31] : memref<128x128xf32, #tpu.memory_space<vmem>>, vector<128x128xf32>
    %dot_general3A_33 = arith.constant dense<0.000000e+00> : vector<1000x128xf32>
    %dot_general3A_34 = tpu.matmul %get3A_29, %get3A_32, %dot_general3A_33 {dimension_numbers = #tpu.dot_dimension_numbers<[1], [0], [0], [1], [0, 0, 1, 1], [], []>, transpose_lhs_hint = false} : vector<1000x128xf32>, vector<128x128xf32>, vector<1000x128xf32> -> vector<1000x128xf32>
    %add3A_35 = arith.addf %dot_general3A_26, %dot_general3A_34 : vector<1000x128xf32>
    %get3A_36 = arith.constant 0 : index
    %get3A_37 = arith.constant 0 : index
    %get3A_38 = vector.load %arg5[%get3A_36, %get3A_37] : memref<1x128xf32, #tpu.memory_space<vmem>>, vector<1x128xf32>
    %add3A_39 = vector.broadcast %get3A_38 : vector<1x128xf32> to vector<1000x128xf32>
    %add3A_40 = arith.addf %add3A_35, %add3A_39 : vector<1000x128xf32>
    %swap3A = arith.constant 0 : index
    %swap3A_41 = arith.constant 0 : index
    %swap3A_42 = vector.load %arg7[%swap3A, %swap3A_41] : memref<1000x128xf32, #tpu.memory_space<vmem>>, vector<1000x128xf32>
    tpu.vector_store %arg7[%swap3A, %swap3A_41], %add3A_40 {strides = array<i32>} : memref<1000x128xf32, #tpu.memory_space<vmem>>, vector<1000x128xf32>,
    return
  }
  func.func @transform_0(%arg0: i32) -> (i32, i32, i32) {
    %c0_i32 = arith.constant 0 : i32
    %c0_i32_0 = arith.constant 0 : i32
    %c0_i32_1 = arith.constant 0 : i32
    return %c0_i32, %arg0, %c0_i32_0 : i32, i32, i32
  }
  func.func @transform_1(%arg0: i32) -> (i32, i32, i32) {
    %c0_i32 = arith.constant 0 : i32
    %c0_i32_0 = arith.constant 0 : i32
    %c0_i32_1 = arith.constant 0 : i32
    return %c0_i32, %arg0, %c0_i32_0 : i32, i32, i32
  }
  func.func @transform_2(%arg0: i32) -> (i32, i32) {
    %c0_i32 = arith.constant 0 : i32
    %c0_i32_0 = arith.constant 0 : i32
    return %arg0, %c0_i32 : i32, i32
  }
  func.func @transform_3(%arg0: i32) -> (i32, i32) {
    %c0_i32 = arith.constant 0 : i32
    %c0_i32_0 = arith.constant 0 : i32
    %c0_i32_1 = arith.constant 0 : i32
    return %c0_i32, %c0_i32_0 : i32, i32
  }
  func.func @transform_4(%arg0: i32) -> (i32, i32) {
    %c0_i32 = arith.constant 0 : i32
    %c0_i32_0 = arith.constant 0 : i32
    %c0_i32_1 = arith.constant 0 : i32
    return %c0_i32, %c0_i32_0 : i32, i32
  }
  func.func @transform_5(%arg0: i32) -> (i32, i32) {
    %c0_i32 = arith.constant 0 : i32
    %c0_i32_0 = arith.constant 0 : i32
    %c0_i32_1 = arith.constant 0 : i32
    return %c0_i32, %c0_i32_0 : i32, i32
  }
  func.func @transform_6(%arg0: i32) -> (i32, i32) {
    %c0_i32 = arith.constant 0 : i32
    %c0_i32_0 = arith.constant 0 : i32
    return %arg0, %c0_i32 : i32, i32
  }
}

module attributes {stable_mosaic.version = 14 : i64} {
  func.func @_fuse_body(%arg0: i32, %arg1: memref<2x1000x128xf32, #tpu.memory_space<vmem>>, %arg2: memref<2x1000x128xf32, #tpu.memory_space<vmem>>, %arg3: memref<1000x128xf32, #tpu.memory_space<vmem>>, %arg4: memref<128x128xf32, #tpu.memory_space<vmem>>, %arg5: memref<1x128xf32, #tpu.memory_space<vmem>>, %arg6: memref<128x128xf32, #tpu.memory_space<vmem>>, %arg7: memref<1000x128xf32, #tpu.memory_space<vmem>>) attributes {dimension_semantics = [#tpu.dimension_semantics<arbitrary>], iteration_bounds = array<i64: 10>, scalar_prefetch = 0 : i64, scratch_operands = 0 : i64, tpu.core_type = #tpu.core_type<tc>, window_params = [{transform_indices = @transform_0, window_bounds = array<i64: 2, 1000, 128>}, {transform_indices = @transform_1, window_bounds = array<i64: 2, 1000, 128>}, {transform_indices = @transform_2, window_bounds = array<i64: 1000, 128>}, {pipeline_mode = #tpu.pipeline_mode<synchronous>, transform_indices = @transform_3, window_bounds = array<i64: 128, 128>}, {pipeline_mode = #tpu.pipeline_mode<synchronous>, transform_indices = @transform_4, window_bounds = array<i64: 1, 128>}, {pipeline_mode = #tpu.pipeline_mode<synchronous>, transform_indices = @transform_5, window_bounds = array<i64: 128, 128>}, {transform_indices = @transform_6, window_bounds = array<i64: 1000, 128>}]} {
    %get3A = arith.constant 0 : index
    %get3A_0 = arith.constant 0 : index
    %get3A_1 = arith.constant 0 : index
    %get3A_2 = vector.load %arg2[%get3A, %get3A_0, %get3A_1] : memref<2x1000x128xf32, #tpu.memory_space<vmem>>, vector<1x1000x1xf32>
    %get3A_3 = vector.shape_cast %get3A_2 : vector<1x1000x1xf32> to vector<1000x1xf32>
    %get3A_4 = arith.constant 1 : index
    %get3A_5 = arith.constant 0 : index
    %get3A_6 = arith.constant 0 : index
    %get3A_7 = vector.load %arg2[%get3A_4, %get3A_5, %get3A_6] : memref<2x1000x128xf32, #tpu.memory_space<vmem>>, vector<1x1000x1xf32>
    %get3A_8 = vector.shape_cast %get3A_7 : vector<1x1000x1xf32> to vector<1000x1xf32>
    %add3A = arith.addf %get3A_3, %get3A_8 : vector<1000x1xf32>
    %get3A_9 = arith.constant 0 : index
    %get3A_10 = arith.constant 0 : index
    %get3A_11 = arith.constant 0 : index
    %get3A_12 = vector.load %arg1[%get3A_9, %get3A_10, %get3A_11] : memref<2x1000x128xf32, #tpu.memory_space<vmem>>, vector<1x1000x128xf32>
    %get3A_13 = vector.shape_cast %get3A_12 : vector<1x1000x128xf32> to vector<1000x128xf32>
    %get3A_14 = arith.constant 1 : index
    %get3A_15 = arith.constant 0 : index
    %get3A_16 = arith.constant 0 : index
    %get3A_17 = vector.load %arg1[%get3A_14, %get3A_15, %get3A_16] : memref<2x1000x128xf32, #tpu.memory_space<vmem>>, vector<1x1000x128xf32>
    %get3A_18 = vector.shape_cast %get3A_17 : vector<1x1000x128xf32> to vector<1000x128xf32>
    %add3A_19 = arith.addf %get3A_13, %get3A_18 : vector<1000x128xf32>
    %max3A = arith.constant 1.000000e+00 : f32
    %max3A_20 = vector.broadcast %max3A : f32 to vector<1000x1xf32>
    %max3A_21 = arith.maximumf %add3A, %max3A_20 : vector<1000x1xf32>
    %div3A = vector.broadcast %max3A_21 : vector<1000x1xf32> to vector<1000x128xf32>
    %div3A_22 = arith.divf %add3A_19, %div3A : vector<1000x128xf32>
    %get3A_23 = arith.constant 0 : index
    %get3A_24 = arith.constant 0 : index
    %get3A_25 = vector.load %arg4[%get3A_23, %get3A_24] : memref<128x128xf32, #tpu.memory_space<vmem>>, vector<128x128xf32>
    %dot_general3A = arith.constant dense<0.000000e+00> : vector<1000x128xf32>
    %dot_general3A_26 = tpu.matmul %div3A_22, %get3A_25, %dot_general3A {dimension_numbers = #tpu.dot_dimension_numbers<[1], [0], [0], [1], [0, 0, 1, 1], [], []>, transpose_lhs_hint = false} : vector<1000x128xf32>, vector<128x128xf32>, vector<1000x128xf32> -> vector<1000x128xf32>
    %get3A_27 = arith.constant 0 : index
    %get3A_28 = arith.constant 0 : index
    %get3A_29 = vector.load %arg3[%get3A_27, %get3A_28] : memref<1000x128xf32, #tpu.memory_space<vmem>>, vector<1000x128xf32>
    %get3A_30 = arith.constant 0 : index
    %get3A_31 = arith.constant 0 : index
    %get3A_32 = vector.load %arg6[%get3A_30, %get3A_31] : memref<128x128xf32, #tpu.memory_space<vmem>>, vector<128x128xf32>
    %dot_general3A_33 = arith.constant dense<0.000000e+00> : vector<1000x128xf32>
    %dot_general3A_34 = tpu.matmul %get3A_29, %get3A_32, %dot_general3A_33 {dimension_numbers = #tpu.dot_dimension_numbers<[1], [0], [0], [1], [0, 0, 1, 1], [], []>, transpose_lhs_hint = false} : vector<1000x128xf32>, vector<128x128xf32>, vector<1000x128xf32> -> vector<1000x128xf32>
    %add3A_35 = arith.addf %dot_general3A_26, %dot_general3A_34 : vector<1000x128xf32>
    %get3A_36 = arith.constant 0 : index
    %get3A_37 = arith.constant 0 : index
    %get3A_38 = vector.load %arg5[%get3A_36, %get3A_37] : memref<1x128xf32, #tpu.memory_space<vmem>>, vector<1x128xf32>
    %add3A_39 = vector.broadcast %get3A_38 : vector<1x128xf32> to vector<1000x128xf32>
    %add3A_40 = arith.addf %add3A_35, %add3A_39 : vector<1000x128xf32>
    %max3A_41 = arith.constant 0.000000e+00 : f32
    %max3A_42 = vector.broadcast %max3A_41 : f32 to vector<1000x128xf32>
    %max3A_43 = arith.maximumf %add3A_40, %max3A_42 : vector<1000x128xf32>
    %swap3A = arith.constant 0 : index
    %swap3A_44 = arith.constant 0 : index
    %swap3A_45 = vector.load %arg7[%swap3A, %swap3A_44] : memref<1000x128xf32, #tpu.memory_space<vmem>>, vector<1000x128xf32>
    tpu.vector_store %arg7[%swap3A, %swap3A_44], %max3A_43 {strides = array<i32>} : memref<1000x128xf32, #tpu.memory_space<vmem>>, vector<1000x128xf32>,
    return
  }
  func.func @transform_0(%arg0: i32) -> (i32, i32, i32) {
    %c0_i32 = arith.constant 0 : i32
    %c0_i32_0 = arith.constant 0 : i32
    %c0_i32_1 = arith.constant 0 : i32
    return %c0_i32, %arg0, %c0_i32_0 : i32, i32, i32
  }
  func.func @transform_1(%arg0: i32) -> (i32, i32, i32) {
    %c0_i32 = arith.constant 0 : i32
    %c0_i32_0 = arith.constant 0 : i32
    %c0_i32_1 = arith.constant 0 : i32
    return %c0_i32, %arg0, %c0_i32_0 : i32, i32, i32
  }
  func.func @transform_2(%arg0: i32) -> (i32, i32) {
    %c0_i32 = arith.constant 0 : i32
    %c0_i32_0 = arith.constant 0 : i32
    return %arg0, %c0_i32 : i32, i32
  }
  func.func @transform_3(%arg0: i32) -> (i32, i32) {
    %c0_i32 = arith.constant 0 : i32
    %c0_i32_0 = arith.constant 0 : i32
    %c0_i32_1 = arith.constant 0 : i32
    return %c0_i32, %c0_i32_0 : i32, i32
  }
  func.func @transform_4(%arg0: i32) -> (i32, i32) {
    %c0_i32 = arith.constant 0 : i32
    %c0_i32_0 = arith.constant 0 : i32
    %c0_i32_1 = arith.constant 0 : i32
    return %c0_i32, %c0_i32_0 : i32, i32
  }
  func.func @transform_5(%arg0: i32) -> (i32, i32) {
    %c0_i32 = arith.constant 0 : i32
    %c0_i32_0 = arith.constant 0 : i32
    %c0_i32_1 = arith.constant 0 : i32
    return %c0_i32, %c0_i32_0 : i32, i32
  }
  func.func @transform_6(%arg0: i32) -> (i32, i32) {
    %c0_i32 = arith.constant 0 : i32
    %c0_i32_0 = arith.constant 0 : i32
    return %arg0, %c0_i32 : i32, i32
  }
}

</mosaic_0001>

<sc_bundles>
// kernel: kernel.12.cloned.1.call-start
scs
__scs_entry_jumppad:
0x0: {  	(pc) =	sbr.rel $0x88, $3  }
0x1: {  	(tag) =	ssettag $0x0;
	lr =	simm.s32 $0x1  }
0x2: {  	[smem:$0x3F96] =	sst lr;
	_ =	strace $0xD0000000  }
0x3: {  	_ = 	snop  }
0x4: {  	_ = 	snop  }
0x5: {  	_ = 	snop  }
0x6: {  	_ = 	snop  }
0x7: {  	_ = 	snop  }
__scs_overlays_trampoline_lowered:
0x8: {  	[smem:$0x3FA5] =	sst s0  }
0x9: {  	[smem:$0x3FA6] =	sst s1  }
0xa: {  	[smem:$0x3FA7] =	sst s2  }
0xb: {  	[smem:$0x3FA8] =	sst s3  }
0xc: {  	[smem:$0x3FA9] =	sst s4  }
0xd: {  	[smem:$0x3FAA] =	sst s5  }
0xe: {  	[smem:$0x3FAB] =	sst s6  }
0xf: {  	[smem:$0x3FAC] =	sst s7  }
0x10: {  	[smem:$0x3FAD] =	sst s8  }
0x11: {  	[smem:$0x3FAE] =	sst s9;
	s0 =	simm.s32 @!p0 $0x0  }
0x12: {  	s1 =	sld [smem:$0x3F94];
	s0 =	simm.s32 @p0 $0x1  }
0x13: {  	[smem:$0x3FAF] =	sst s0;
	s0 =	simm.s32 @!p1 $0x0  }
0x14: {  	s2 =	sld [smem:$0x3F93];
	s0 =	simm.s32 @p1 $0x1  }
0x15: {  	[smem:$0x3FB0] =	sst s0;
	s0 =	simm.s32 @!p2 $0x0  }
0x16: {  	s3 =	sld [smem:$0x3FDB];
	s0 =	simm.s32 @p2 $0x1  }
0x17: {  	s4 =	simm.s32 $0x1BF5;
	[smem:$0x3FB2] =	sst s0  }
0x18: {  	s0 =	sld [smem:$0x3F95];
	_ =	swait.ge [sflag:s4], $0x0  }
0x19: {  	s7 =	sld [smem:$0x3F96]  }
0x1a: {  	s8 =	sadd.s32 $0xFFFFE003, lr  }
0x1b: {  	s9 =	sadd.s32 $0xFFFFFEF7, lr;
	s5 =	simm.s32 $0xFFFFFFFF;
	p2 =	slt.u32 s8, $0xFFFFF086  }
0x1c: {  	p1 =	slt.u32 s9, $0xF7A;
	s5 =	simm.s32 @!p2 $0x0  }
0x1d: {  	s5 =	simm.s32 @p1 $0x1;
	p0 =	seq.s32 s7, s2  }
0x1e: {  	s7 =	smul.u32 @!p0 $0xF7A, s2;
	p2 =	seq.s32 @!p0 s5, $0x0  }
0x1f: {  	s9 =	smul.u32 $0xF7A, s1;
	s8 =	simm.s32 @!p0 $0x1BF5;
	p2 =	por !p2, p0  }
0x20: {  	[sflag:s8] =	ssyncset.s32 @!p0 $0xFFFFF086;
	s6 =	sadd.s32 @!p0 s3, s7;
	s7 =	simm.s32 @!p0 $0x108  }
0x21: {  	s3 =	sadd.s32 s3, s9;
	s6 =	sadd.s32 @!p0 $0x88, s6;
	s7 =	simm.s32 @p2 $0x1082  }
0x22: {  	[simem:s7], [sflag:s8] =	dma.local @!p0 [hbm:s6], $0xF7A  }
0x23: {  	s9 =	sor.u32 $0xD0000000, s2;
	s6 =	simm.s32 $0x108;
	_ =	swait.ge @!p0 [sflag:s8], $0x0  }
0x24: {  	s3 =	sadd.s32 $0x88, s3;
	s6 =	simm.s32 @!p1 $0x1082;
	[sflag:s4] =	ssyncset.s32 $0xFFFFF086  }
0x25: {  	[simem:s6], [sflag:s4] =	dma.local [hbm:s3], $0xF7A  }
0x26: {  	[smem:$0x3F96] =	sst s1;
	(tag) =	ssettag s2;
	_ =	strace s9  }
0x27: {  	s1 =	sld [smem:$0x3FA6]  }
0x28: {  	s2 =	sld [smem:$0x3FA7]  }
0x29: {  	s4 =	sld [smem:$0x3FA9]  }
0x2a: {  	p0 =	seq.s32 s5, $0x0;
	s5 =	sld [smem:$0x3FAA]  }
0x2b: {  	s6 =	sld [smem:$0x3FAB]  }
0x2c: {  	s7 =	sld [smem:$0x3FAC]  }
0x2d: {  	s3 =	simm.s32 $0x108;
	s8 =	sld [smem:$0x3FAD]  }
0x2e: {  	s3 =	simm.s32 @!p0 $0x1082;
	s9 =	sld [smem:$0x3FAE]  }
0x2f: {  	lr =	sadd.s32 s0, s3;
	s0 =	sld [smem:$0x3FA5]  }
0x30: {  	s3 =	sld [smem:$0x3FA8]  }
0x31: {  	[smem:$0x3FB1] =	sst s10  }
0x32: {  	s10 =	sld [smem:$0x3FAF];
	_ =	sdelay $0x3  }
0x33: {  	p0 =	seq.s32 s10, $0x1;
	s10 =	sld [smem:$0x3FB1];
	_ =	sdelay $0x3  }
0x34: {  	[smem:$0x3FB1] =	sst s10  }
0x35: {  	s10 =	sld [smem:$0x3FB0];
	_ =	sdelay $0x3  }
0x36: {  	p1 =	seq.s32 s10, $0x1;
	s10 =	sld [smem:$0x3FB1];
	_ =	sdelay $0x3  }
0x37: {  	[smem:$0x3FB1] =	sst s10  }
0x38: {  	s10 =	sld [smem:$0x3FB2]  }
0x39: {  	_ = 	snop;
	(pc) =	sbr.ind lr, $3  }
0x3a: {  	_ = 	snop  }
0x3b: {  	_ = 	snop  }
0x3c: {  	p2 =	seq.s32 s10, $0x1;
	s10 =	sld [smem:$0x3FB1]  }
0x3d: {  	_ =	shalt  }
0x3e: {  	_ =	shalt  }
0x3f: {  	_ =	shalt  }
0x40: {  	_ =	shalt  }
0x41: {  	_ =	shalt  }
0x42: {  	_ =	shalt  }
0x43: {  	_ =	shalt  }
0x44: {  	_ =	shalt  }
0x45: {  	_ =	shalt  }
0x46: {  	_ =	shalt  }
0x47: {  	_ =	shalt  }
0x48: {  	_ =	shalt  }
0x49: {  	_ =	shalt  }
0x4a: {  	_ =	shalt  }
0x4b: {  	_ =	shalt  }
0x4c: {  	_ =	shalt  }
0x4d: {  	_ =	shalt  }
0x4e: {  	_ =	shalt  }
0x4f: {  	_ =	shalt  }
0x50: {  	_ =	shalt  }
0x51: {  	_ =	shalt  }
0x52: {  	_ =	shalt  }
0x53: {  	_ =	shalt  }
0x54: {  	_ =	shalt  }
0x55: {  	_ =	shalt  }
0x56: {  	_ =	shalt  }
0x57: {  	_ =	shalt  }
0x58: {  	_ =	shalt  }
0x59: {  	_ =	shalt  }
0x5a: {  	_ =	shalt  }
0x5b: {  	_ =	shalt  }
0x5c: {  	_ =	shalt  }
0x5d: {  	_ =	shalt  }
0x5e: {  	_ =	shalt  }
0x5f: {  	_ =	shalt  }
0x60: {  	_ =	shalt  }
0x61: {  	_ =	shalt  }
0x62: {  	_ =	shalt  }
0x63: {  	_ =	shalt  }
0x64: {  	_ =	shalt  }
0x65: {  	_ =	shalt  }
0x66: {  	_ =	shalt  }
0x67: {  	_ =	shalt  }
0x68: {  	_ =	shalt  }
0x69: {  	_ =	shalt  }
0x6a: {  	_ =	shalt  }
0x6b: {  	_ =	shalt  }
0x6c: {  	_ =	shalt  }
0x6d: {  	_ =	shalt  }
0x6e: {  	_ =	shalt  }
0x6f: {  	_ =	shalt  }
0x70: {  	_ =	shalt  }
0x71: {  	_ =	shalt  }
0x72: {  	_ =	shalt  }
0x73: {  	_ =	shalt  }
0x74: {  	_ =	shalt  }
0x75: {  	_ =	shalt  }
0x76: {  	_ =	shalt  }
0x77: {  	_ =	shalt  }
0x78: {  	_ =	shalt  }
0x79: {  	_ =	shalt  }
0x7a: {  	_ =	shalt  }
0x7b: {  	_ =	shalt  }
0x7c: {  	_ =	shalt  }
0x7d: {  	_ =	shalt  }
0x7e: {  	_ =	shalt  }
0x7f: {  	_ =	shalt  }
0x80: {  	_ =	shalt  }
0x81: {  	_ =	shalt  }
0x82: {  	_ =	shalt  }
0x83: {  	_ =	shalt  }
0x84: {  	_ =	shalt  }
0x85: {  	_ =	shalt  }
0x86: {  	_ =	shalt  }
0x87: {  	_ =	shalt  }
.Lfunc_end0:
.L_simem_size_0:
called_computation.1_lowered:
.L_overlay_start_0:
0x88: {  	s2 =	sld [smem:$0x3FD9]  }
0x89: {  	s3 =	sld [smem:$0x3FFE];
	_ =	sdelay $0x1  }
0x8a: {  	s1 =	srdreg.scid  }
0x8b: {  	s0 =	sand.u32 $0x1, s1  }
0x8c: {  	s17 =	sshll.u32 s0, $0xA;
	s2 =	sadd.s32 s3, s2  }
0x8d: {  	s2 =	sadd.s32 s2, s17  }
0x8e: {  	[smem:$0x3FBD] =	sst s2  }
0x8f: {  	_ = 	snop  }
0x90: {  	s18 =	sld [smem:$0x3FC9];
	(tm) =	ssettm $0x1  }
0x91: {  	s19 =	sld [smem:$0x3FFB];
	_ =	sdelay $0x3  }
0x92: {  	_ =	strace s19  }
0x93: {  	s2 =	sld [smem:$0x3FFC];
	_ =	sdelay $0x3  }
0x94: {  	_ =	strace s2  }
0x95: {  	s2 =	sld [smem:$0x3FFD];
	_ =	sdelay $0x3  }
0x96: {  	_ =	strace s2  }
0x97: {  	_ =	strace $0x8FFFFFFF  }
0x98: {  	s20 =	sld [smem:$0x3FDB];
	_ =	sdelay $0x1  }
0x99: {  	s4 =	simm.s32 $_scs_section_size  }
0x9a: {  	s5 =	simm.s32 $_size__tile_overlayer_lowered;
	s6 =	simm.s32 $_tile_overlayer_lowered  }
0x9b: {  	s7 =	simm.s32 $0x1BFF;
	s21 =	sshll.u32 s6, $0x1;
	s4 =	sadd.s32 s4, s20  }
0x9c: {  	s22 =	simm.s32 $0x0;
	s5 =	sshll.u32 s5, $0x1;
	s6 =	sadd.s32 s21, s4  }
0x9d: {  	[timem:s22], [sflag:s7] =	dma.local [hbm:s6], s5  }
0x9e: {  	_ =	swait.ge [sflag:s7], s5  }
0x9f: {  	s5 =	ssub.s32 $0x0, s5;
	[sflag:s7] =	ssyncset.done $0x0  }
0xa0: {  	[sflag:s7] =	ssyncadd.s32 s5;
	_ =	sdelay $0x1  }
0xa1: {  	s23 =	simm.s32 $0x1B8B  }
0xa2: {  	_ =	swait.ge [sflag:s23], $0x1  }
0xa3: {  	[sflag:s23] =	ssyncset.done $0x0  }
0xa4: {  	[sflag:s23] =	ssyncadd.s32 $0xFFFFFFFF  }
0xa5: {  	s5 =	sld [smem:$0x0]  }
0xa6: {  	s6 =	sand.u32 $0xFFFFFFFE, s1  }
0xa7: {  	p0 =	sne.s32 s1, s6  }
0xa8: {  	s6 =	sshll.u32 @p0 s6, $0xE  }
0xa9: {  	s6 =	sadd.s32 @p0 $0x11B8D, s6;
	s7 =	sshll.u32 @p0 s5, $0x11  }
0xaa: {  	s6 =	sor.u32 @p0 s7, s6  }
0xab: {  	[sflag:s6] =	ssyncadd.remote.s32 @p0 $0x1;
	_ =	sdelay $0x1  }
0xac: {  	s6 =	simm.s32 @p0 $0x1B8D  }
0xad: {  	_ =	swait.eq @p0 [sflag:s6], $0x1  }
0xae: {  	[sflag:s6] =	ssyncadd.s32 @p0 $0xFFFFFFFF  }
0xaf: {  	s7 =	sshll.u32 @!p0 s1, $0xE  }
0xb0: {  	s7 =	sor.u32 @!p0 $0x4000, s7;
	s6 =	simm.s32 @!p0 $0x1B8D  }
0xb1: {  	s5 =	sshll.u32 @!p0 s5, $0x11;
	s7 =	sadd.s32 @!p0 $0x11B8D, s7;
	_ =	swait.eq @!p0 [sflag:s6], $0x1  }
0xb2: {  	s5 =	sor.u32 @!p0 s5, s7;
	[sflag:s6] =	ssyncadd.s32 @!p0 $0xFFFFFFFF  }
0xb3: {  	s25 =	simm.s32 $0x1B8E;
	s24 =	sld [smem:$0x3FFE];
	[sflag:s5] =	ssyncadd.remote.s32 @!p0 $0x1  }
0xb4: {  	s26 =	simm.s32 $execute0_lowered;
	[smem:$0x3FD2] =	sst s25  }
0xb5: {  	s6 =	sshll.u32 s26, $0x1;
	_ =	strace $0x80000049;
	[dreg:$0x1] =	wrdreg $0xFFFFFFFF  }
0xb6: {  	s28 =	simm.s32 $_size_execute0_lowered;
	s4 =	sadd.s32 s4, s6;
	[dreg:$0x0] =	wrdreg $0x0  }
0xb7: {  	s6 =	sshll.u32 s28, $0x1;
	[dreg:$0x2] =	wrdreg s4  }
0xb8: {  	[dreg:$0x3] =	wrdreg s6  }
0xb9: {  	[dreg:$0x4] =	wrdreg $0xC0  }
0xba: {  	_ =	task [dreg:s22], $0x5FFFF  }
0xbb: {  	[dreg:$0x1] =	wrdreg $0xFFFFFFFF  }
0xbc: {  	[dreg:$0x0] =	wrdreg $0x60  }
0xbd: {  	[dreg:$0x2] =	wrdreg s18  }
0xbe: {  	[dreg:$0x3] =	wrdreg s24  }
0xbf: {  	[dreg:$0x4] =	wrdreg $0x82000  }
0xc0: {  	[dreg:$0x5] =	wrdreg $0xA  }
0xc1: {  	_ =	task.clear_ibuf [dreg:s22], $0x6FFFF;
	_ =	strace $0x90000049  }
0xc2: {  	s29 =	simm.s32 $0xA;
	_ =	strace $0x8000004B  }
0xc3: {  	_ =	swait.ge [sflag:s29], $0x1  }
0xc4: {  	[sflag:s29] =	ssyncadd.s32 $0xFFFFFFFF  }
0xc5: {  	_ =	strace $0x9000004B  }
0xc6: {  	_ =	sfence  }
0xc7: {  	s30 =	sld [smem:$0x0];
	_ =	sdelay $0x2  }
0xc8: {  	s31 =	sshll.u32 s1, $0xD;
	s1 =	sshrl.u32 s1, $0x2  }
0xc9: {  	s4 =	sand.u32 $0x4000, s31;
	s1 =	sadd.s32 s1, s30  }
0xca: {  	s0 =	sor.u32 s4, s0;
	s1 =	sshll.u32 s1, $0x11  }
0xcb: {  	s0 =	sor.u32 s1, s0  }
0xcc: {  	s0 =	sadd.s32 $0x8F2B, s0  }
0xcd: {  	[sflag:s0] =	ssyncadd.remote.s32 $0x1  }
0xce: {  	_ =	sfence.sel $0xFFFF  }
0xcf: {  	[dreg:$0x0] =	wrdreg $0xFFFFFFFF;
	(pc) =	sbr.abs _section_cstart, $3  }
0xd0: {  	[dreg:$0x1] =	wrdreg $0xFFFFFFFF  }
0xd1: {  	_ =	task.clear_ibuf [dreg:s22], $0x2FFFF;
	_ =	strace $0x9FFFFFFF  }
0xd2: {  	(tm) =	ssettm $0x7FFFFFFF  }
0xd3: {  	_ =	shalt  }
tec
execute0_lowered:
.L_overlay_start_1:
0x0: {  	(tag) =	ssettag $0x1  }
0x1: {  	s1 =	rddreg [dreg:$0x0]  }
0x2: {  	s6 =	rddreg [dreg:$0x1]  }
0x3: {  	s2 =	rddreg [dreg:$0x2]  }
0x4: {  	s3 =	srdreg.scid;
	s0 =	rddreg [dreg:$0x3]  }
0x5: {  	s4 =	simm.s32 $0x0;
	s15 =	simm.s32 $0x7D;
	s16 =	simm.s32 $0x200  }
0x6: {  	s17 =	simm.s32 $0x100;
	s18 =	simm.s32 $0x4200;
	s19 =	simm.s32 $0x1  }
0x7: {  	s20 =	simm.s32 $0x80;
	s21 =	simm.s32 $0x2;
	s7 =	sand.u32 $0x1, s3  }
0x8: {  	s22 =	simm.s32 $0x180;
	s3 =	stileid.u32;
	s5 =	smul.u32 $0x140000, s7  }
0x9: {  	s23 =	simm.s32 $0x0;
	[smem:$0x7FF] =	sst s4;
	s8 =	smul.u32 $0x14000, s3  }
0xa: {  	s12 =	sadd.s32 $0x3800, s6;
	_ =	strace $0x8000004A;
	s10 =	smul.u32 $0x50000, s3  }
0xb: {  	s9 =	sshll.u32 s7, $0x4;
	s26 =	ssub.s32 $0x2, s7;
	s7 =	smul.u32 $0x50000, s7  }
0xc: {  	s13 =	smul.u32 $0x5000, s3;
	s28 =	sshll.u32 s3, $0x6;
	s9 =	sor.u32 s3, s9  }
0xd: {  	s11 =	sshrl.u32 s26, $0x1;
	s8 =	sadd.s32 s8, s5;
	s5 =	sadd.s32 $0x17800, s6  }
0xe: {  	s9 =	smul.u32 $0x5000, s9;
	s10 =	sshrl.u32 s10, $0x2;
	s11 =	ssub.s32 s26, s11  }
0xf: {  	s29 =	sadd.s32 s13, s7;
	s8 =	sshrl.u32 s8, $0x3;
	s14 =	sadd.s32 s10, s2  }
0x10: {  	s13 =	sor.u32 $0x100, s29;
	s31 =	sor.u32 $0x200, s29;
	s8 =	sadd.s32 s8, s6  }
0x11: {  	s6 =	sor.u32 $0x1C03, s28;
	s9 =	sshrl.u32 s9, $0x3;
	s30 =	sshrl.u32 s13, $0x3  }
0x12: {  	s13 =	sshrl.u32 s31, $0x3;
	s7 =	sadd.s32 s12, s9;
	s8 =	sadd.s32 $0x6A000, s8  }
0x13: {  	s9 =	smax.u32 s11, $0x1;
	s11 =	sadd.s32 s30, s12;
	s12 =	sadd.s32 s13, s12  }
0x14: {  	s13 =	sshrl.u32 s14, $0x3;
	s14 =	simm.s32 $0x3;
	s10 =	sadd.s32 $0x9E0, s7  }
.LBB2_1:
0x15: {  	[spmem:s13], [sflag:s6] =	dma.local [hbm:s5], $0x2800  }
0x16: {  	_ =	swait.ge [sflag:s14], $0x2800  }
0x17: {  	[sflag:s14] =	ssyncset.done $0x0  }
0x18: {  	[sflag:s14] =	ssyncadd.s32 $0xFFFFD800  }
0x19: {  	[bflag:$0x0] =	sbarrier.arrive $0xFFFF  }
0x1a: {  	[tilespmem:s4], [sflag:$0x3] =	stream.linear.gather [hbm4b:s7+s4], $0x100, $0x38;
	[tilespmem:$0x1C200] =	vst v63  }
0x1b: {  	_ =	swait.ge [sflag:s14], $0x100  }
0x1c: {  	[sflag:s14] =	ssyncset.done $0x0  }
0x1d: {  	[sflag:s14] =	ssyncadd.s32 $0xFFFFFF00  }
0x1e: {  	[tilespmem:s16], [sflag:$0x1] =	stream.indirect.gather [hbm4b:s1+s15], $0x80, s4, s15, $0xb8;
	[tilespmem:$0x1C200] =	vst v63  }
0x1f: {  	s24 =	sadd.s32 $0x0, s11  }
0x20: {  	[tilespmem:s17], [sflag:$0x3] =	stream.linear.gather [hbm4b:s24+s4], $0x100, $0x38;
	[tilespmem:$0x1C200] =	vst v63  }
0x21: {  	_ =	swait.ge [sflag:s14], $0x100  }
0x22: {  	[sflag:s14] =	ssyncset.done $0x0  }
0x23: {  	[sflag:s14] =	ssyncadd.s32 $0xFFFFFF00  }
0x24: {  	[tilespmem:s18], [sflag:$0x2] =	stream.indirect.gather [hbm4b:s1+s15], $0x80, s17, s15, $0xb8;
	[tilespmem:$0x1C200] =	vst v63  }
0x25: {  	_ =	swait.ge [sflag:s19], $0x3E80  }
0x26: {  	[sflag:s19] =	ssyncset.done $0x0  }
0x27: {  	[sflag:s19] =	ssyncadd.s32 $0xFFFFC180  }
0x28: {  	[spmem:s2] =	stream.indirect.scatter.add.f32 [tilespmem:s16], [sflag:$0x3], $0x80, s20, s15, $0xb8;
	[tilespmem:$0x1C200] =	vst v63  }
0x29: {  	_ =	swait.ge [sflag:s14], $0x3E80  }
0x2a: {  	[sflag:s14] =	ssyncset.done $0x0  }
0x2b: {  	s31 =	sadd.s32 $0x0, s12;
	[sflag:s14] =	ssyncadd.s32 $0xFFFFC180  }
0x2c: {  	[tilespmem:s4], [sflag:$0x3] =	stream.linear.gather [hbm4b:s31+s4], $0x100, $0x38;
	[tilespmem:$0x1C200] =	vst v63  }
0x2d: {  	_ =	swait.ge [sflag:s14], $0x100  }
0x2e: {  	[sflag:s14] =	ssyncset.done $0x0  }
0x2f: {  	[sflag:s14] =	ssyncadd.s32 $0xFFFFFF00  }
0x30: {  	[tilespmem:s16], [sflag:$0x1] =	stream.indirect.gather [hbm4b:s1+s15], $0x80, s4, s15, $0xb8;
	[tilespmem:$0x1C200] =	vst v63  }
0x31: {  	_ =	swait.ge [sflag:s21], $0x3E80  }
0x32: {  	[sflag:s21] =	ssyncset.done $0x0  }
0x33: {  	[sflag:s21] =	ssyncadd.s32 $0xFFFFC180  }
0x34: {  	[spmem:s2] =	stream.indirect.scatter.add.f32 [tilespmem:s18], [sflag:$0x3], $0x80, s22, s15, $0xb8;
	[tilespmem:$0x1C200] =	vst v63  }
0x35: {  	_ =	swait.ge [sflag:s14], $0x3E80  }
0x36: {  	s25 =	simm.s32 $0x80;
	s24 =	simm.s32 $0x40;
	[sflag:s14] =	ssyncset.done $0x0  }
.LBB2_2:
0x37: {  	s26 =	sadd.s32 s24, s11  }
0x38: {  	[sflag:s14] =	ssyncadd.s32 $0xFFFFC180;
	s28 =	smov.u32 s25;
	s29 =	sadd.s32 $0x40, s25  }
0x39: {  	[tilespmem:s17], [sflag:$0x3] =	stream.linear.gather [hbm4b:s26+s4], $0x100, $0x38;
	[tilespmem:$0x1C200] =	vst v63  }
0x3a: {  	p0 =	sne.s32 s25, $0x980;
	_ =	swait.ge [sflag:s14], $0x100  }
0x3b: {  	[sflag:s14] =	ssyncset.done $0x0  }
0x3c: {  	[sflag:s14] =	ssyncadd.s32 $0xFFFFFF00  }
0x3d: {  	[tilespmem:s18], [sflag:$0x2] =	stream.indirect.gather [hbm4b:s1+s15], $0x80, s17, s15, $0xb8;
	[tilespmem:$0x1C200] =	vst v63  }
0x3e: {  	_ =	swait.ge [sflag:s19], $0x3E80  }
0x3f: {  	[sflag:s19] =	ssyncset.done $0x0  }
0x40: {  	[sflag:s19] =	ssyncadd.s32 $0xFFFFC180  }
0x41: {  	[spmem:s2] =	stream.indirect.scatter.add.f32 [tilespmem:s16], [sflag:$0x3], $0x80, s20, s15, $0xb8;
	[tilespmem:$0x1C200] =	vst v63  }
0x42: {  	_ =	swait.ge [sflag:s14], $0x3E80  }
0x43: {  	[sflag:s14] =	ssyncset.done $0x0  }
0x44: {  	s25 =	sadd.s32 s24, s12;
	s24 =	smov.u32 s28;
	[sflag:s14] =	ssyncadd.s32 $0xFFFFC180  }
0x45: {  	[tilespmem:s4], [sflag:$0x3] =	stream.linear.gather [hbm4b:s25+s4], $0x100, $0x38;
	[tilespmem:$0x1C200] =	vst v63  }
0x46: {  	_ =	swait.ge [sflag:s14], $0x100  }
0x47: {  	[sflag:s14] =	ssyncset.done $0x0  }
0x48: {  	[sflag:s14] =	ssyncadd.s32 $0xFFFFFF00  }
0x49: {  	[tilespmem:s16], [sflag:$0x1] =	stream.indirect.gather [hbm4b:s1+s15], $0x80, s4, s15, $0xb8;
	[tilespmem:$0x1C200] =	vst v63  }
0x4a: {  	_ =	swait.ge [sflag:s21], $0x3E80  }
.Ltmp0:
0x4b: {  	[sflag:s21] =	ssyncset.done $0x0;
	(pc) =	sbr.rel @p0 .LBB2_2-.Ltmp0, $4  }
0x4c: {  	[sflag:s21] =	ssyncadd.s32 $0xFFFFC180  }
0x4d: {  	[spmem:s2] =	stream.indirect.scatter.add.f32 [tilespmem:s18], [sflag:$0x3], $0x80, s22, s15, $0xb8;
	[tilespmem:$0x1C200] =	vst v63  }
0x4e: {  	_ =	swait.ge [sflag:s14], $0x3E80  }
0x4f: {  	s25 =	smov.u32 s29;
	[sflag:s14] =	ssyncset.done $0x0  }
0x50: {  	s25 =	sadd.s32 s24, s11;
	[sflag:s14] =	ssyncadd.s32 $0xFFFFC180  }
0x51: {  	[tilespmem:s17], [sflag:$0x3] =	stream.linear.gather [hbm4b:s25+s4], $0x100, $0x38;
	[tilespmem:$0x1C200] =	vst v63  }
0x52: {  	_ =	swait.ge [sflag:s14], $0x100  }
0x53: {  	[sflag:s14] =	ssyncset.done $0x0  }
0x54: {  	[sflag:s14] =	ssyncadd.s32 $0xFFFFFF00  }
0x55: {  	[tilespmem:s18], [sflag:$0x2] =	stream.indirect.gather [hbm4b:s1+s15], $0x80, s17, s15, $0xb8;
	[tilespmem:$0x1C200] =	vst v63  }
0x56: {  	_ =	swait.ge [sflag:s19], $0x3E80  }
0x57: {  	[sflag:s19] =	ssyncset.done $0x0  }
0x58: {  	[sflag:s19] =	ssyncadd.s32 $0xFFFFC180  }
0x59: {  	[spmem:s2] =	stream.indirect.scatter.add.f32 [tilespmem:s16], [sflag:$0x3], $0x80, s20, s15, $0xb8;
	[tilespmem:$0x1C200] =	vst v63  }
0x5a: {  	_ =	swait.ge [sflag:s14], $0x3E80  }
0x5b: {  	[sflag:s14] =	ssyncset.done $0x0  }
0x5c: {  	s31 =	sadd.s32 s24, s12;
	[sflag:s14] =	ssyncadd.s32 $0xFFFFC180  }
0x5d: {  	[tilespmem:s4], [sflag:$0x3] =	stream.linear.gather [hbm4b:s31+s4], $0x100, $0x38;
	[tilespmem:$0x1C200] =	vst v63  }
0x5e: {  	_ =	swait.ge [sflag:s14], $0x100  }
0x5f: {  	[sflag:s14] =	ssyncset.done $0x0  }
0x60: {  	[sflag:s14] =	ssyncadd.s32 $0xFFFFFF00  }
0x61: {  	[tilespmem:s16], [sflag:$0x1] =	stream.indirect.gather [hbm4b:s1+s15], $0x80, s4, s15, $0xb8;
	[tilespmem:$0x1C200] =	vst v63  }
0x62: {  	_ =	swait.ge [sflag:s21], $0x3E80  }
0x63: {  	[sflag:s21] =	ssyncset.done $0x0  }
0x64: {  	[sflag:s21] =	ssyncadd.s32 $0xFFFFC180  }
0x65: {  	[spmem:s2] =	stream.indirect.scatter.add.f32 [tilespmem:s18], [sflag:$0x3], $0x80, s22, s15, $0xb8;
	[tilespmem:$0x1C200] =	vst v63  }
0x66: {  	_ =	swait.ge [sflag:s14], $0x3E80  }
0x67: {  	[sflag:s14] =	ssyncset.done $0x0  }
0x68: {  	[sflag:s14] =	ssyncadd.s32 $0xFFFFC180  }
0x69: {  	[tilespmem:s17], [sflag:$0x3] =	stream.linear.gather [hbm4b:s10+s4], $0x100, $0x38;
	[tilespmem:$0x1C200] =	vst v63  }
0x6a: {  	_ =	swait.ge [sflag:s14], $0x100  }
0x6b: {  	[sflag:s14] =	ssyncset.done $0x0  }
0x6c: {  	[sflag:s14] =	ssyncadd.s32 $0xFFFFFF00  }
0x6d: {  	[tilespmem:s18], [sflag:$0x2] =	stream.indirect.gather [hbm4b:s1+s15], $0x80, s17, s15, $0xb8;
	[tilespmem:$0x1C200] =	vst v63  }
0x6e: {  	_ =	swait.ge [sflag:s19], $0x3E80  }
0x6f: {  	[sflag:s19] =	ssyncset.done $0x0  }
0x70: {  	[sflag:s19] =	ssyncadd.s32 $0xFFFFC180  }
0x71: {  	[spmem:s2] =	stream.indirect.scatter.add.f32 [tilespmem:s16], [sflag:$0x3], $0x80, s20, s15, $0xb8;
	[tilespmem:$0x1C200] =	vst v63  }
0x72: {  	_ =	swait.ge [sflag:s14], $0x3E80  }
0x73: {  	[sflag:s14] =	ssyncset.done $0x0  }
0x74: {  	[sflag:s14] =	ssyncadd.s32 $0xFFFFC180  }
0x75: {  	[tilespmem:s4], [sflag:$0x3] =	stream.linear.gather [hbm4b:s10+s4], $0x100, $0x38;
	[tilespmem:$0x1C200] =	vst v63  }
0x76: {  	_ =	swait.ge [sflag:s14], $0x100  }
0x77: {  	[sflag:s14] =	ssyncset.done $0x0  }
0x78: {  	[sflag:s14] =	ssyncadd.s32 $0xFFFFFF00  }
0x79: {  	[tilespmem:s16], [sflag:$0x1] =	stream.indirect.gather [hbm4b:s1+s15], $0x80, s4, s15, $0xb8;
	[tilespmem:$0x1C200] =	vst v63  }
0x7a: {  	_ =	swait.ge [sflag:s21], $0x3E80  }
0x7b: {  	[sflag:s21] =	ssyncset.done $0x0  }
0x7c: {  	[sflag:s21] =	ssyncadd.s32 $0xFFFFC180  }
0x7d: {  	[spmem:s2] =	stream.indirect.scatter.add.f32 [tilespmem:s18], [sflag:$0x3], $0x80, s22, s15, $0xb8;
	[tilespmem:$0x1C200] =	vst v63  }
0x7e: {  	_ =	swait.ge [sflag:s14], $0x3E80  }
0x7f: {  	[sflag:s14] =	ssyncset.done $0x0  }
0x80: {  	[sflag:s14] =	ssyncadd.s32 $0xFFFFC180  }
0x81: {  	_ =	swait.ge [sflag:s19], $0x3E80  }
0x82: {  	s23 =	sadd.s32 $0x1, s23;
	[sflag:s19] =	ssyncset.done $0x0  }
0x83: {  	p0 =	sne.s32 s23, s9;
	[sflag:s19] =	ssyncadd.s32 $0xFFFFC180  }
.Ltmp1:
0x84: {  	[bflag:$0x0] =	sbarrier.arrive $0xFFFF;
	(pc) =	sbr.rel @p0 .LBB2_1-.Ltmp1, $4  }
0x85: {  	[hbm:s8], [sflag:s6] =	dma.local [spmem:s13], $0x2800  }
0x86: {  	_ =	swait.ge [sflag:s14], $0x2800  }
0x87: {  	[sflag:s14] =	ssyncset.done $0x0  }
0x88: {  	[sflag:s14] =	ssyncadd.s32 $0xFFFFD800  }
0x89: {  	_ =	sfence.sel $0x180000  }
0x8a: {  	[bflag:$0x0] =	sbarrier.arrive $0xFFFF  }
0x8b: {  	p0 =	sne.s32 s3, $0x0;
	_ =	strace $0x9000004A  }
0x8c: {  	s0 =	sadd.s32 @!p0 $0x100000, s0;
	[bflag:$0x2] =	sbarrier.arrive $0xFFFF  }
0x8d: {  	[sflag:s0] =	ssyncadd.tile.s32 @!p0 $0x1;
	_ =	shalt  }
.Lfunc_end2:
_tile_overlayer_lowered:
.L_overlay_start_2:
0x8e: {  	(tag) =	ssettag $0x2  }
0x8f: {  	s0 =	rddreg [dreg:$0x0];
	s2 =	stileid.u32  }
0x90: {  	s1 =	rddreg [dreg:$0x1];
	p0 =	sne.s32 s2, $0x0  }
0x91: {  	s3 =	rddreg [dreg:$0x2];
	[bflag:$0x3] =	sbarrier.arrive $0xFFFF;
	s2 =	simm.s32 @!p0 $0x1C03  }
0x92: {  	[timem:s3], [sflag:s2] =	dma.local @!p0 [hbm:s0], s1  }
0x93: {  	s0 =	simm.s32 @!p0 $0x3  }
0x94: {  	_ =	swait.ge @!p0 [sflag:s0], s1  }
0x95: {  	s1 =	ssub.s32 @!p0 $0x0, s1;
	[sflag:s0] =	ssyncset.done @!p0 $0x0  }
0x96: {  	[sflag:s0] =	ssyncadd.s32 @!p0 s1  }
0x97: {  	[bflag:$0x3] =	sbarrier.arrive $0xFFFF  }
0x98: {  	_ =	shalt  }

// kernel: kernel.15.cloned.1.call-start
scs
__scs_entry_jumppad:
0x0: {  	(pc) =	sbr.rel $0x88, $3  }
0x1: {  	(tag) =	ssettag $0x0;
	lr =	simm.s32 $0x1  }
0x2: {  	[smem:$0x3F96] =	sst lr;
	_ =	strace $0xD0000000  }
0x3: {  	_ = 	snop  }
0x4: {  	_ = 	snop  }
0x5: {  	_ = 	snop  }
0x6: {  	_ = 	snop  }
0x7: {  	_ = 	snop  }
__scs_overlays_trampoline_lowered:
0x8: {  	[smem:$0x3FA5] =	sst s0  }
0x9: {  	[smem:$0x3FA6] =	sst s1  }
0xa: {  	[smem:$0x3FA7] =	sst s2  }
0xb: {  	[smem:$0x3FA8] =	sst s3  }
0xc: {  	[smem:$0x3FA9] =	sst s4  }
0xd: {  	[smem:$0x3FAA] =	sst s5  }
0xe: {  	[smem:$0x3FAB] =	sst s6  }
0xf: {  	[smem:$0x3FAC] =	sst s7  }
0x10: {  	[smem:$0x3FAD] =	sst s8  }
0x11: {  	[smem:$0x3FAE] =	sst s9;
	s0 =	simm.s32 @!p0 $0x0  }
0x12: {  	s1 =	sld [smem:$0x3F94];
	s0 =	simm.s32 @p0 $0x1  }
0x13: {  	[smem:$0x3FAF] =	sst s0;
	s0 =	simm.s32 @!p1 $0x0  }
0x14: {  	s2 =	sld [smem:$0x3F93];
	s0 =	simm.s32 @p1 $0x1  }
0x15: {  	[smem:$0x3FB0] =	sst s0;
	s0 =	simm.s32 @!p2 $0x0  }
0x16: {  	s3 =	sld [smem:$0x3FDB];
	s0 =	simm.s32 @p2 $0x1  }
0x17: {  	s4 =	simm.s32 $0x1BF5;
	[smem:$0x3FB2] =	sst s0  }
0x18: {  	s0 =	sld [smem:$0x3F95];
	_ =	swait.ge [sflag:s4], $0x0  }
0x19: {  	s7 =	sld [smem:$0x3F96]  }
0x1a: {  	s8 =	sadd.s32 $0xFFFFE003, lr  }
0x1b: {  	s9 =	sadd.s32 $0xFFFFFEF7, lr;
	s5 =	simm.s32 $0xFFFFFFFF;
	p2 =	slt.u32 s8, $0xFFFFF086  }
0x1c: {  	p1 =	slt.u32 s9, $0xF7A;
	s5 =	simm.s32 @!p2 $0x0  }
0x1d: {  	s5 =	simm.s32 @p1 $0x1;
	p0 =	seq.s32 s7, s2  }
0x1e: {  	s7 =	smul.u32 @!p0 $0xF7A, s2;
	p2 =	seq.s32 @!p0 s5, $0x0  }
0x1f: {  	s9 =	smul.u32 $0xF7A, s1;
	s8 =	simm.s32 @!p0 $0x1BF5;
	p2 =	por !p2, p0  }
0x20: {  	[sflag:s8] =	ssyncset.s32 @!p0 $0xFFFFF086;
	s6 =	sadd.s32 @!p0 s3, s7;
	s7 =	simm.s32 @!p0 $0x108  }
0x21: {  	s3 =	sadd.s32 s3, s9;
	s6 =	sadd.s32 @!p0 $0x88, s6;
	s7 =	simm.s32 @p2 $0x1082  }
0x22: {  	[simem:s7], [sflag:s8] =	dma.local @!p0 [hbm:s6], $0xF7A  }
0x23: {  	s9 =	sor.u32 $0xD0000000, s2;
	s6 =	simm.s32 $0x108;
	_ =	swait.ge @!p0 [sflag:s8], $0x0  }
0x24: {  	s3 =	sadd.s32 $0x88, s3;
	s6 =	simm.s32 @!p1 $0x1082;
	[sflag:s4] =	ssyncset.s32 $0xFFFFF086  }
0x25: {  	[simem:s6], [sflag:s4] =	dma.local [hbm:s3], $0xF7A  }
0x26: {  	[smem:$0x3F96] =	sst s1;
	(tag) =	ssettag s2;
	_ =	strace s9  }
0x27: {  	s1 =	sld [smem:$0x3FA6]  }
0x28: {  	s2 =	sld [smem:$0x3FA7]  }
0x29: {  	s4 =	sld [smem:$0x3FA9]  }
0x2a: {  	p0 =	seq.s32 s5, $0x0;
	s5 =	sld [smem:$0x3FAA]  }
0x2b: {  	s6 =	sld [smem:$0x3FAB]  }
0x2c: {  	s7 =	sld [smem:$0x3FAC]  }
0x2d: {  	s3 =	simm.s32 $0x108;
	s8 =	sld [smem:$0x3FAD]  }
0x2e: {  	s3 =	simm.s32 @!p0 $0x1082;
	s9 =	sld [smem:$0x3FAE]  }
0x2f: {  	lr =	sadd.s32 s0, s3;
	s0 =	sld [smem:$0x3FA5]  }
0x30: {  	s3 =	sld [smem:$0x3FA8]  }
0x31: {  	[smem:$0x3FB1] =	sst s10  }
0x32: {  	s10 =	sld [smem:$0x3FAF];
	_ =	sdelay $0x3  }
0x33: {  	p0 =	seq.s32 s10, $0x1;
	s10 =	sld [smem:$0x3FB1];
	_ =	sdelay $0x3  }
0x34: {  	[smem:$0x3FB1] =	sst s10  }
0x35: {  	s10 =	sld [smem:$0x3FB0];
	_ =	sdelay $0x3  }
0x36: {  	p1 =	seq.s32 s10, $0x1;
	s10 =	sld [smem:$0x3FB1];
	_ =	sdelay $0x3  }
0x37: {  	[smem:$0x3FB1] =	sst s10  }
0x38: {  	s10 =	sld [smem:$0x3FB2]  }
0x39: {  	_ = 	snop;
	(pc) =	sbr.ind lr, $3  }
0x3a: {  	_ = 	snop  }
0x3b: {  	_ = 	snop  }
0x3c: {  	p2 =	seq.s32 s10, $0x1;
	s10 =	sld [smem:$0x3FB1]  }
0x3d: {  	_ =	shalt  }
0x3e: {  	_ =	shalt  }
0x3f: {  	_ =	shalt  }
0x40: {  	_ =	shalt  }
0x41: {  	_ =	shalt  }
0x42: {  	_ =	shalt  }
0x43: {  	_ =	shalt  }
0x44: {  	_ =	shalt  }
0x45: {  	_ =	shalt  }
0x46: {  	_ =	shalt  }
0x47: {  	_ =	shalt  }
0x48: {  	_ =	shalt  }
0x49: {  	_ =	shalt  }
0x4a: {  	_ =	shalt  }
0x4b: {  	_ =	shalt  }
0x4c: {  	_ =	shalt  }
0x4d: {  	_ =	shalt  }
0x4e: {  	_ =	shalt  }
0x4f: {  	_ =	shalt  }
0x50: {  	_ =	shalt  }
0x51: {  	_ =	shalt  }
0x52: {  	_ =	shalt  }
0x53: {  	_ =	shalt  }
0x54: {  	_ =	shalt  }
0x55: {  	_ =	shalt  }
0x56: {  	_ =	shalt  }
0x57: {  	_ =	shalt  }
0x58: {  	_ =	shalt  }
0x59: {  	_ =	shalt  }
0x5a: {  	_ =	shalt  }
0x5b: {  	_ =	shalt  }
0x5c: {  	_ =	shalt  }
0x5d: {  	_ =	shalt  }
0x5e: {  	_ =	shalt  }
0x5f: {  	_ =	shalt  }
0x60: {  	_ =	shalt  }
0x61: {  	_ =	shalt  }
0x62: {  	_ =	shalt  }
0x63: {  	_ =	shalt  }
0x64: {  	_ =	shalt  }
0x65: {  	_ =	shalt  }
0x66: {  	_ =	shalt  }
0x67: {  	_ =	shalt  }
0x68: {  	_ =	shalt  }
0x69: {  	_ =	shalt  }
0x6a: {  	_ =	shalt  }
0x6b: {  	_ =	shalt  }
0x6c: {  	_ =	shalt  }
0x6d: {  	_ =	shalt  }
0x6e: {  	_ =	shalt  }
0x6f: {  	_ =	shalt  }
0x70: {  	_ =	shalt  }
0x71: {  	_ =	shalt  }
0x72: {  	_ =	shalt  }
0x73: {  	_ =	shalt  }
0x74: {  	_ =	shalt  }
0x75: {  	_ =	shalt  }
0x76: {  	_ =	shalt  }
0x77: {  	_ =	shalt  }
0x78: {  	_ =	shalt  }
0x79: {  	_ =	shalt  }
0x7a: {  	_ =	shalt  }
0x7b: {  	_ =	shalt  }
0x7c: {  	_ =	shalt  }
0x7d: {  	_ =	shalt  }
0x7e: {  	_ =	shalt  }
0x7f: {  	_ =	shalt  }
0x80: {  	_ =	shalt  }
0x81: {  	_ =	shalt  }
0x82: {  	_ =	shalt  }
0x83: {  	_ =	shalt  }
0x84: {  	_ =	shalt  }
0x85: {  	_ =	shalt  }
0x86: {  	_ =	shalt  }
0x87: {  	_ =	shalt  }
.Lfunc_end0:
.L_simem_size_0:
called_computation.2_lowered:
.L_overlay_start_0:
0x88: {  	s2 =	sld [smem:$0x3FD9]  }
0x89: {  	s3 =	sld [smem:$0x3FFE];
	_ =	sdelay $0x1  }
0x8a: {  	s1 =	srdreg.scid  }
0x8b: {  	s0 =	sand.u32 $0x1, s1  }
0x8c: {  	s17 =	sshll.u32 s0, $0xA;
	s2 =	sadd.s32 s3, s2  }
0x8d: {  	s2 =	sadd.s32 s2, s17  }
0x8e: {  	[smem:$0x3FBD] =	sst s2  }
0x8f: {  	_ = 	snop  }
0x90: {  	s2 =	sld [smem:$0x3FD0];
	(tm) =	ssettm $0x1  }
0x91: {  	s18 =	sld [smem:$0x3FFB];
	_ =	sdelay $0x3  }
0x92: {  	_ =	strace s18  }
0x93: {  	s3 =	sld [smem:$0x3FFC];
	_ =	sdelay $0x3  }
0x94: {  	_ =	strace s3  }
0x95: {  	s3 =	sld [smem:$0x3FFD];
	_ =	sdelay $0x3  }
0x96: {  	_ =	strace s3  }
0x97: {  	_ =	strace $0x8FFFFFFF  }
0x98: {  	s19 =	sld [smem:$0x3FDB];
	_ =	sdelay $0x1  }
0x99: {  	s4 =	simm.s32 $_scs_section_size  }
0x9a: {  	s5 =	simm.s32 $_size__tile_overlayer_lowered;
	s6 =	simm.s32 $_tile_overlayer_lowered  }
0x9b: {  	s22 =	simm.s32 $0x1BFF;
	s21 =	sshll.u32 s6, $0x1;
	s3 =	sadd.s32 s4, s19  }
0x9c: {  	s7 =	simm.s32 $0x0;
	s20 =	sshll.u32 s5, $0x1;
	s5 =	sadd.s32 s21, s3  }
0x9d: {  	[timem:s7], [sflag:s22] =	dma.local [hbm:s5], s20  }
0x9e: {  	_ =	swait.ge [sflag:s22], s20  }
0x9f: {  	s4 =	ssub.s32 $0x0, s20;
	[sflag:s22] =	ssyncset.done $0x0  }
0xa0: {  	[sflag:s22] =	ssyncadd.s32 s4;
	_ =	sdelay $0x1  }
0xa1: {  	s23 =	simm.s32 $0x1B8B  }
0xa2: {  	_ =	swait.ge [sflag:s23], $0x1  }
0xa3: {  	[sflag:s23] =	ssyncset.done $0x0  }
0xa4: {  	s25 =	simm.s32 $0x1B8E;
	s24 =	sld [smem:$0x3FFE];
	[sflag:s23] =	ssyncadd.s32 $0xFFFFFFFF  }
0xa5: {  	s26 =	simm.s32 $execute0_lowered;
	[smem:$0x3FD2] =	sst s25  }
0xa6: {  	s5 =	sshll.u32 s26, $0x1;
	_ =	strace $0x8000004C;
	[dreg:$0x1] =	wrdreg $0xFFFFFFFF  }
0xa7: {  	s28 =	simm.s32 $_size_execute0_lowered;
	s3 =	sadd.s32 s3, s5;
	[dreg:$0x0] =	wrdreg $0x0  }
0xa8: {  	s5 =	sshll.u32 s28, $0x1;
	[dreg:$0x2] =	wrdreg s3  }
0xa9: {  	[dreg:$0x3] =	wrdreg s5  }
0xaa: {  	[dreg:$0x4] =	wrdreg $0xC0  }
0xab: {  	_ =	task [dreg:s7], $0x5FFFF  }
0xac: {  	[dreg:$0x1] =	wrdreg $0xFFFFFFFF  }
0xad: {  	[dreg:$0x0] =	wrdreg $0x60  }
0xae: {  	[dreg:$0x2] =	wrdreg s2  }
0xaf: {  	[dreg:$0x3] =	wrdreg s24  }
0xb0: {  	[dreg:$0x4] =	wrdreg $0x82000  }
0xb1: {  	[dreg:$0x5] =	wrdreg $0x9  }
0xb2: {  	_ =	task.clear_ibuf [dreg:s7], $0x6FFFF;
	_ =	strace $0x9000004C  }
0xb3: {  	s29 =	simm.s32 $0x9;
	_ =	strace $0x8000004E  }
0xb4: {  	_ =	swait.ge [sflag:s29], $0x1  }
0xb5: {  	[sflag:s29] =	ssyncadd.s32 $0xFFFFFFFF  }
0xb6: {  	_ =	strace $0x9000004E  }
0xb7: {  	_ =	sfence  }
0xb8: {  	s30 =	sld [smem:$0x0];
	_ =	sdelay $0x2  }
0xb9: {  	s31 =	sshll.u32 s1, $0xD;
	s1 =	sshrl.u32 s1, $0x2  }
0xba: {  	s3 =	sand.u32 $0x4000, s31;
	s1 =	sadd.s32 s1, s30  }
0xbb: {  	s0 =	sor.u32 s3, s0;
	s1 =	sshll.u32 s1, $0x11  }
0xbc: {  	s0 =	sor.u32 s1, s0  }
0xbd: {  	s0 =	sadd.s32 $0x8F2B, s0  }
0xbe: {  	[sflag:s0] =	ssyncadd.remote.s32 $0x1  }
0xbf: {  	_ =	sfence.sel $0xFFFF  }
0xc0: {  	[dreg:$0x0] =	wrdreg $0xFFFFFFFF;
	(pc) =	sbr.abs _section_cstart, $3  }
0xc1: {  	[dreg:$0x1] =	wrdreg $0xFFFFFFFF  }
0xc2: {  	_ =	task.clear_ibuf [dreg:s7], $0x2FFFF;
	_ =	strace $0x9FFFFFFF  }
0xc3: {  	(tm) =	ssettm $0x7FFFFFFF  }
tec
execute0_lowered:
.L_overlay_start_1:
0x0: {  	(tag) =	ssettag $0x1  }
0x1: {  	s1 =	rddreg [dreg:$0x0]  }
0x2: {  	s6 =	rddreg [dreg:$0x1]  }
0x3: {  	s2 =	rddreg [dreg:$0x2]  }
0x4: {  	s3 =	srdreg.scid;
	s0 =	rddreg [dreg:$0x3]  }
0x5: {  	s4 =	simm.s32 $0x0;
	s15 =	simm.s32 $0x7D;
	s16 =	simm.s32 $0x200  }
0x6: {  	s17 =	simm.s32 $0x100;
	s18 =	simm.s32 $0x4200;
	s19 =	simm.s32 $0x1  }
0x7: {  	s20 =	simm.s32 $0x80;
	s21 =	simm.s32 $0x2;
	s7 =	sand.u32 $0x1, s3  }
0x8: {  	s22 =	simm.s32 $0x180;
	s3 =	stileid.u32;
	s5 =	smul.u32 $0x140000, s7  }
0x9: {  	s23 =	simm.s32 $0x0;
	[smem:$0x7FF] =	sst s4;
	s8 =	smul.u32 $0x14000, s3  }
0xa: {  	s12 =	sadd.s32 $0x3800, s6;
	_ =	strace $0x8000004D;
	s10 =	smul.u32 $0x50000, s3  }
0xb: {  	s9 =	sshll.u32 s7, $0x4;
	s26 =	ssub.s32 $0x2, s7;
	s7 =	smul.u32 $0x50000, s7  }
0xc: {  	s13 =	smul.u32 $0x5000, s3;
	s28 =	sshll.u32 s3, $0x6;
	s9 =	sor.u32 s3, s9  }
0xd: {  	s11 =	sshrl.u32 s26, $0x1;
	s8 =	sadd.s32 s8, s5;
	s5 =	sadd.s32 $0x17800, s6  }
0xe: {  	s9 =	smul.u32 $0x5000, s9;
	s10 =	sshrl.u32 s10, $0x2;
	s11 =	ssub.s32 s26, s11  }
0xf: {  	s29 =	sadd.s32 s13, s7;
	s8 =	sshrl.u32 s8, $0x3;
	s14 =	sadd.s32 s10, s2  }
0x10: {  	s13 =	sor.u32 $0x100, s29;
	s31 =	sor.u32 $0x200, s29;
	s8 =	sadd.s32 s8, s6  }
0x11: {  	s6 =	sor.u32 $0x1C03, s28;
	s9 =	sshrl.u32 s9, $0x3;
	s30 =	sshrl.u32 s13, $0x3  }
0x12: {  	s13 =	sshrl.u32 s31, $0x3;
	s7 =	sadd.s32 s12, s9;
	s8 =	sadd.s32 $0x6A000, s8  }
0x13: {  	s9 =	smax.u32 s11, $0x1;
	s11 =	sadd.s32 s30, s12;
	s12 =	sadd.s32 s13, s12  }
0x14: {  	s13 =	sshrl.u32 s14, $0x3;
	s14 =	simm.s32 $0x3;
	s10 =	sadd.s32 $0x9E0, s7  }
.LBB2_1:
0x15: {  	[spmem:s13], [sflag:s6] =	dma.local [hbm:s5], $0x2800  }
0x16: {  	_ =	swait.ge [sflag:s14], $0x2800  }
0x17: {  	[sflag:s14] =	ssyncset.done $0x0  }
0x18: {  	[sflag:s14] =	ssyncadd.s32 $0xFFFFD800  }
0x19: {  	[bflag:$0x0] =	sbarrier.arrive $0xFFFF  }
0x1a: {  	[tilespmem:s4], [sflag:$0x3] =	stream.linear.gather [hbm4b:s7+s4], $0x100, $0x38;
	[tilespmem:$0x1C200] =	vst v63  }
0x1b: {  	_ =	swait.ge [sflag:s14], $0x100  }
0x1c: {  	[sflag:s14] =	ssyncset.done $0x0  }
0x1d: {  	[sflag:s14] =	ssyncadd.s32 $0xFFFFFF00  }
0x1e: {  	[tilespmem:s16], [sflag:$0x1] =	stream.indirect.gather [hbm4b:s1+s15], $0x80, s4, s15, $0xb8;
	[tilespmem:$0x1C200] =	vst v63  }
0x1f: {  	s24 =	sadd.s32 $0x0, s11  }
0x20: {  	[tilespmem:s17], [sflag:$0x3] =	stream.linear.gather [hbm4b:s24+s4], $0x100, $0x38;
	[tilespmem:$0x1C200] =	vst v63  }
0x21: {  	_ =	swait.ge [sflag:s14], $0x100  }
0x22: {  	[sflag:s14] =	ssyncset.done $0x0  }
0x23: {  	[sflag:s14] =	ssyncadd.s32 $0xFFFFFF00  }
0x24: {  	[tilespmem:s18], [sflag:$0x2] =	stream.indirect.gather [hbm4b:s1+s15], $0x80, s17, s15, $0xb8;
	[tilespmem:$0x1C200] =	vst v63  }
0x25: {  	_ =	swait.ge [sflag:s19], $0x3E80  }
0x26: {  	[sflag:s19] =	ssyncset.done $0x0  }
0x27: {  	[sflag:s19] =	ssyncadd.s32 $0xFFFFC180  }
0x28: {  	[spmem:s2] =	stream.indirect.scatter.add.f32 [tilespmem:s16], [sflag:$0x3], $0x80, s20, s15, $0xb8;
	[tilespmem:$0x1C200] =	vst v63  }
0x29: {  	_ =	swait.ge [sflag:s14], $0x3E80  }
0x2a: {  	[sflag:s14] =	ssyncset.done $0x0  }
0x2b: {  	s31 =	sadd.s32 $0x0, s12;
	[sflag:s14] =	ssyncadd.s32 $0xFFFFC180  }
0x2c: {  	[tilespmem:s4], [sflag:$0x3] =	stream.linear.gather [hbm4b:s31+s4], $0x100, $0x38;
	[tilespmem:$0x1C200] =	vst v63  }
0x2d: {  	_ =	swait.ge [sflag:s14], $0x100  }
0x2e: {  	[sflag:s14] =	ssyncset.done $0x0  }
0x2f: {  	[sflag:s14] =	ssyncadd.s32 $0xFFFFFF00  }
0x30: {  	[tilespmem:s16], [sflag:$0x1] =	stream.indirect.gather [hbm4b:s1+s15], $0x80, s4, s15, $0xb8;
	[tilespmem:$0x1C200] =	vst v63  }
0x31: {  	_ =	swait.ge [sflag:s21], $0x3E80  }
0x32: {  	[sflag:s21] =	ssyncset.done $0x0  }
0x33: {  	[sflag:s21] =	ssyncadd.s32 $0xFFFFC180  }
0x34: {  	[spmem:s2] =	stream.indirect.scatter.add.f32 [tilespmem:s18], [sflag:$0x3], $0x80, s22, s15, $0xb8;
	[tilespmem:$0x1C200] =	vst v63  }
0x35: {  	_ =	swait.ge [sflag:s14], $0x3E80  }
0x36: {  	s25 =	simm.s32 $0x80;
	s24 =	simm.s32 $0x40;
	[sflag:s14] =	ssyncset.done $0x0  }
.LBB2_2:
0x37: {  	s26 =	sadd.s32 s24, s11  }
0x38: {  	[sflag:s14] =	ssyncadd.s32 $0xFFFFC180;
	s28 =	smov.u32 s25;
	s29 =	sadd.s32 $0x40, s25  }
0x39: {  	[tilespmem:s17], [sflag:$0x3] =	stream.linear.gather [hbm4b:s26+s4], $0x100, $0x38;
	[tilespmem:$0x1C200] =	vst v63  }
0x3a: {  	p0 =	sne.s32 s25, $0x980;
	_ =	swait.ge [sflag:s14], $0x100  }
0x3b: {  	[sflag:s14] =	ssyncset.done $0x0  }
0x3c: {  	[sflag:s14] =	ssyncadd.s32 $0xFFFFFF00  }
0x3d: {  	[tilespmem:s18], [sflag:$0x2] =	stream.indirect.gather [hbm4b:s1+s15], $0x80, s17, s15, $0xb8;
	[tilespmem:$0x1C200] =	vst v63  }
0x3e: {  	_ =	swait.ge [sflag:s19], $0x3E80  }
0x3f: {  	[sflag:s19] =	ssyncset.done $0x0  }
0x40: {  	[sflag:s19] =	ssyncadd.s32 $0xFFFFC180  }
0x41: {  	[spmem:s2] =	stream.indirect.scatter.add.f32 [tilespmem:s16], [sflag:$0x3], $0x80, s20, s15, $0xb8;
	[tilespmem:$0x1C200] =	vst v63  }
0x42: {  	_ =	swait.ge [sflag:s14], $0x3E80  }
0x43: {  	[sflag:s14] =	ssyncset.done $0x0  }
0x44: {  	s25 =	sadd.s32 s24, s12;
	s24 =	smov.u32 s28;
	[sflag:s14] =	ssyncadd.s32 $0xFFFFC180  }
0x45: {  	[tilespmem:s4], [sflag:$0x3] =	stream.linear.gather [hbm4b:s25+s4], $0x100, $0x38;
	[tilespmem:$0x1C200] =	vst v63  }
0x46: {  	_ =	swait.ge [sflag:s14], $0x100  }
0x47: {  	[sflag:s14] =	ssyncset.done $0x0  }
0x48: {  	[sflag:s14] =	ssyncadd.s32 $0xFFFFFF00  }
0x49: {  	[tilespmem:s16], [sflag:$0x1] =	stream.indirect.gather [hbm4b:s1+s15], $0x80, s4, s15, $0xb8;
	[tilespmem:$0x1C200] =	vst v63  }
0x4a: {  	_ =	swait.ge [sflag:s21], $0x3E80  }
.Ltmp0:
0x4b: {  	[sflag:s21] =	ssyncset.done $0x0;
	(pc) =	sbr.rel @p0 .LBB2_2-.Ltmp0, $4  }
0x4c: {  	[sflag:s21] =	ssyncadd.s32 $0xFFFFC180  }
0x4d: {  	[spmem:s2] =	stream.indirect.scatter.add.f32 [tilespmem:s18], [sflag:$0x3], $0x80, s22, s15, $0xb8;
	[tilespmem:$0x1C200] =	vst v63  }
0x4e: {  	_ =	swait.ge [sflag:s14], $0x3E80  }
0x4f: {  	s25 =	smov.u32 s29;
	[sflag:s14] =	ssyncset.done $0x0  }
0x50: {  	s25 =	sadd.s32 s24, s11;
	[sflag:s14] =	ssyncadd.s32 $0xFFFFC180  }
0x51: {  	[tilespmem:s17], [sflag:$0x3] =	stream.linear.gather [hbm4b:s25+s4], $0x100, $0x38;
	[tilespmem:$0x1C200] =	vst v63  }
0x52: {  	_ =	swait.ge [sflag:s14], $0x100  }
0x53: {  	[sflag:s14] =	ssyncset.done $0x0  }
0x54: {  	[sflag:s14] =	ssyncadd.s32 $0xFFFFFF00  }
0x55: {  	[tilespmem:s18], [sflag:$0x2] =	stream.indirect.gather [hbm4b:s1+s15], $0x80, s17, s15, $0xb8;
	[tilespmem:$0x1C200] =	vst v63  }
0x56: {  	_ =	swait.ge [sflag:s19], $0x3E80  }
0x57: {  	[sflag:s19] =	ssyncset.done $0x0  }
0x58: {  	[sflag:s19] =	ssyncadd.s32 $0xFFFFC180  }
0x59: {  	[spmem:s2] =	stream.indirect.scatter.add.f32 [tilespmem:s16], [sflag:$0x3], $0x80, s20, s15, $0xb8;
	[tilespmem:$0x1C200] =	vst v63  }
0x5a: {  	_ =	swait.ge [sflag:s14], $0x3E80  }
0x5b: {  	[sflag:s14] =	ssyncset.done $0x0  }
0x5c: {  	s31 =	sadd.s32 s24, s12;
	[sflag:s14] =	ssyncadd.s32 $0xFFFFC180  }
0x5d: {  	[tilespmem:s4], [sflag:$0x3] =	stream.linear.gather [hbm4b:s31+s4], $0x100, $0x38;
	[tilespmem:$0x1C200] =	vst v63  }
0x5e: {  	_ =	swait.ge [sflag:s14], $0x100  }
0x5f: {  	[sflag:s14] =	ssyncset.done $0x0  }
0x60: {  	[sflag:s14] =	ssyncadd.s32 $0xFFFFFF00  }
0x61: {  	[tilespmem:s16], [sflag:$0x1] =	stream.indirect.gather [hbm4b:s1+s15], $0x80, s4, s15, $0xb8;
	[tilespmem:$0x1C200] =	vst v63  }
0x62: {  	_ =	swait.ge [sflag:s21], $0x3E80  }
0x63: {  	[sflag:s21] =	ssyncset.done $0x0  }
0x64: {  	[sflag:s21] =	ssyncadd.s32 $0xFFFFC180  }
0x65: {  	[spmem:s2] =	stream.indirect.scatter.add.f32 [tilespmem:s18], [sflag:$0x3], $0x80, s22, s15, $0xb8;
	[tilespmem:$0x1C200] =	vst v63  }
0x66: {  	_ =	swait.ge [sflag:s14], $0x3E80  }
0x67: {  	[sflag:s14] =	ssyncset.done $0x0  }
0x68: {  	[sflag:s14] =	ssyncadd.s32 $0xFFFFC180  }
0x69: {  	[tilespmem:s17], [sflag:$0x3] =	stream.linear.gather [hbm4b:s10+s4], $0x100, $0x38;
	[tilespmem:$0x1C200] =	vst v63  }
0x6a: {  	_ =	swait.ge [sflag:s14], $0x100  }
0x6b: {  	[sflag:s14] =	ssyncset.done $0x0  }
0x6c: {  	[sflag:s14] =	ssyncadd.s32 $0xFFFFFF00  }
0x6d: {  	[tilespmem:s18], [sflag:$0x2] =	stream.indirect.gather [hbm4b:s1+s15], $0x80, s17, s15, $0xb8;
	[tilespmem:$0x1C200] =	vst v63  }
0x6e: {  	_ =	swait.ge [sflag:s19], $0x3E80  }
0x6f: {  	[sflag:s19] =	ssyncset.done $0x0  }
0x70: {  	[sflag:s19] =	ssyncadd.s32 $0xFFFFC180  }
0x71: {  	[spmem:s2] =	stream.indirect.scatter.add.f32 [tilespmem:s16], [sflag:$0x3], $0x80, s20, s15, $0xb8;
	[tilespmem:$0x1C200] =	vst v63  }
0x72: {  	_ =	swait.ge [sflag:s14], $0x3E80  }
0x73: {  	[sflag:s14] =	ssyncset.done $0x0  }
0x74: {  	[sflag:s14] =	ssyncadd.s32 $0xFFFFC180  }
0x75: {  	[tilespmem:s4], [sflag:$0x3] =	stream.linear.gather [hbm4b:s10+s4], $0x100, $0x38;
	[tilespmem:$0x1C200] =	vst v63  }
0x76: {  	_ =	swait.ge [sflag:s14], $0x100  }
0x77: {  	[sflag:s14] =	ssyncset.done $0x0  }
0x78: {  	[sflag:s14] =	ssyncadd.s32 $0xFFFFFF00  }
0x79: {  	[tilespmem:s16], [sflag:$0x1] =	stream.indirect.gather [hbm4b:s1+s15], $0x80, s4, s15, $0xb8;
	[tilespmem:$0x1C200] =	vst v63  }
0x7a: {  	_ =	swait.ge [sflag:s21], $0x3E80  }
0x7b: {  	[sflag:s21] =	ssyncset.done $0x0  }
0x7c: {  	[sflag:s21] =	ssyncadd.s32 $0xFFFFC180  }
0x7d: {  	[spmem:s2] =	stream.indirect.scatter.add.f32 [tilespmem:s18], [sflag:$0x3], $0x80, s22, s15, $0xb8;
	[tilespmem:$0x1C200] =	vst v63  }
0x7e: {  	_ =	swait.ge [sflag:s14], $0x3E80  }
0x7f: {  	[sflag:s14] =	ssyncset.done $0x0  }
0x80: {  	[sflag:s14] =	ssyncadd.s32 $0xFFFFC180  }
0x81: {  	_ =	swait.ge [sflag:s19], $0x3E80  }
0x82: {  	s23 =	sadd.s32 $0x1, s23;
	[sflag:s19] =	ssyncset.done $0x0  }
0x83: {  	p0 =	sne.s32 s23, s9;
	[sflag:s19] =	ssyncadd.s32 $0xFFFFC180  }
.Ltmp1:
0x84: {  	[bflag:$0x0] =	sbarrier.arrive $0xFFFF;
	(pc) =	sbr.rel @p0 .LBB2_1-.Ltmp1, $4  }
0x85: {  	[hbm:s8], [sflag:s6] =	dma.local [spmem:s13], $0x2800  }
0x86: {  	_ =	swait.ge [sflag:s14], $0x2800  }
0x87: {  	[sflag:s14] =	ssyncset.done $0x0  }
0x88: {  	[sflag:s14] =	ssyncadd.s32 $0xFFFFD800  }
0x89: {  	_ =	sfence.sel $0x180000  }
0x8a: {  	[bflag:$0x0] =	sbarrier.arrive $0xFFFF  }
0x8b: {  	p0 =	sne.s32 s3, $0x0;
	_ =	strace $0x9000004D  }
0x8c: {  	s0 =	sadd.s32 @!p0 $0x100000, s0;
	[bflag:$0x2] =	sbarrier.arrive $0xFFFF  }
0x8d: {  	[sflag:s0] =	ssyncadd.tile.s32 @!p0 $0x1;
	_ =	shalt  }
.Lfunc_end2:
_tile_overlayer_lowered:
.L_overlay_start_2:
0x8e: {  	(tag) =	ssettag $0x2  }
0x8f: {  	s0 =	rddreg [dreg:$0x0];
	s2 =	stileid.u32  }
0x90: {  	s1 =	rddreg [dreg:$0x1];
	p0 =	sne.s32 s2, $0x0  }
0x91: {  	s3 =	rddreg [dreg:$0x2];
	[bflag:$0x3] =	sbarrier.arrive $0xFFFF;
	s2 =	simm.s32 @!p0 $0x1C03  }
0x92: {  	[timem:s3], [sflag:s2] =	dma.local @!p0 [hbm:s0], s1  }
0x93: {  	s0 =	simm.s32 @!p0 $0x3  }
0x94: {  	_ =	swait.ge @!p0 [sflag:s0], s1  }
0x95: {  	s1 =	ssub.s32 @!p0 $0x0, s1;
	[sflag:s0] =	ssyncset.done @!p0 $0x0  }
0x96: {  	[sflag:s0] =	ssyncadd.s32 @!p0 s1  }
0x97: {  	[bflag:$0x3] =	sbarrier.arrive $0xFFFF  }
0x98: {  	_ =	shalt  }

// kernel: kernel.18.cloned.1.call-start
scs
__scs_entry_jumppad:
0x0: {  	(pc) =	sbr.rel $0x88, $3  }
0x1: {  	(tag) =	ssettag $0x0;
	lr =	simm.s32 $0x1  }
0x2: {  	[smem:$0x3F96] =	sst lr;
	_ =	strace $0xD0000000  }
0x3: {  	_ = 	snop  }
0x4: {  	_ = 	snop  }
0x5: {  	_ = 	snop  }
0x6: {  	_ = 	snop  }
0x7: {  	_ = 	snop  }
__scs_overlays_trampoline_lowered:
0x8: {  	[smem:$0x3FA5] =	sst s0  }
0x9: {  	[smem:$0x3FA6] =	sst s1  }
0xa: {  	[smem:$0x3FA7] =	sst s2  }
0xb: {  	[smem:$0x3FA8] =	sst s3  }
0xc: {  	[smem:$0x3FA9] =	sst s4  }
0xd: {  	[smem:$0x3FAA] =	sst s5  }
0xe: {  	[smem:$0x3FAB] =	sst s6  }
0xf: {  	[smem:$0x3FAC] =	sst s7  }
0x10: {  	[smem:$0x3FAD] =	sst s8  }
0x11: {  	[smem:$0x3FAE] =	sst s9;
	s0 =	simm.s32 @!p0 $0x0  }
0x12: {  	s1 =	sld [smem:$0x3F94];
	s0 =	simm.s32 @p0 $0x1  }
0x13: {  	[smem:$0x3FAF] =	sst s0;
	s0 =	simm.s32 @!p1 $0x0  }
0x14: {  	s2 =	sld [smem:$0x3F93];
	s0 =	simm.s32 @p1 $0x1  }
0x15: {  	[smem:$0x3FB0] =	sst s0;
	s0 =	simm.s32 @!p2 $0x0  }
0x16: {  	s3 =	sld [smem:$0x3FDB];
	s0 =	simm.s32 @p2 $0x1  }
0x17: {  	s4 =	simm.s32 $0x1BF5;
	[smem:$0x3FB2] =	sst s0  }
0x18: {  	s0 =	sld [smem:$0x3F95];
	_ =	swait.ge [sflag:s4], $0x0  }
0x19: {  	s7 =	sld [smem:$0x3F96]  }
0x1a: {  	s8 =	sadd.s32 $0xFFFFE003, lr  }
0x1b: {  	s9 =	sadd.s32 $0xFFFFFEF7, lr;
	s5 =	simm.s32 $0xFFFFFFFF;
	p2 =	slt.u32 s8, $0xFFFFF086  }
0x1c: {  	p1 =	slt.u32 s9, $0xF7A;
	s5 =	simm.s32 @!p2 $0x0  }
0x1d: {  	s5 =	simm.s32 @p1 $0x1;
	p0 =	seq.s32 s7, s2  }
0x1e: {  	s7 =	smul.u32 @!p0 $0xF7A, s2;
	p2 =	seq.s32 @!p0 s5, $0x0  }
0x1f: {  	s9 =	smul.u32 $0xF7A, s1;
	s8 =	simm.s32 @!p0 $0x1BF5;
	p2 =	por !p2, p0  }
0x20: {  	[sflag:s8] =	ssyncset.s32 @!p0 $0xFFFFF086;
	s6 =	sadd.s32 @!p0 s3, s7;
	s7 =	simm.s32 @!p0 $0x108  }
0x21: {  	s3 =	sadd.s32 s3, s9;
	s6 =	sadd.s32 @!p0 $0x88, s6;
	s7 =	simm.s32 @p2 $0x1082  }
0x22: {  	[simem:s7], [sflag:s8] =	dma.local @!p0 [hbm:s6], $0xF7A  }
0x23: {  	s9 =	sor.u32 $0xD0000000, s2;
	s6 =	simm.s32 $0x108;
	_ =	swait.ge @!p0 [sflag:s8], $0x0  }
0x24: {  	s3 =	sadd.s32 $0x88, s3;
	s6 =	simm.s32 @!p1 $0x1082;
	[sflag:s4] =	ssyncset.s32 $0xFFFFF086  }
0x25: {  	[simem:s6], [sflag:s4] =	dma.local [hbm:s3], $0xF7A  }
0x26: {  	[smem:$0x3F96] =	sst s1;
	(tag) =	ssettag s2;
	_ =	strace s9  }
0x27: {  	s1 =	sld [smem:$0x3FA6]  }
0x28: {  	s2 =	sld [smem:$0x3FA7]  }
0x29: {  	s4 =	sld [smem:$0x3FA9]  }
0x2a: {  	p0 =	seq.s32 s5, $0x0;
	s5 =	sld [smem:$0x3FAA]  }
0x2b: {  	s6 =	sld [smem:$0x3FAB]  }
0x2c: {  	s7 =	sld [smem:$0x3FAC]  }
0x2d: {  	s3 =	simm.s32 $0x108;
	s8 =	sld [smem:$0x3FAD]  }
0x2e: {  	s3 =	simm.s32 @!p0 $0x1082;
	s9 =	sld [smem:$0x3FAE]  }
0x2f: {  	lr =	sadd.s32 s0, s3;
	s0 =	sld [smem:$0x3FA5]  }
0x30: {  	s3 =	sld [smem:$0x3FA8]  }
0x31: {  	[smem:$0x3FB1] =	sst s10  }
0x32: {  	s10 =	sld [smem:$0x3FAF];
	_ =	sdelay $0x3  }
0x33: {  	p0 =	seq.s32 s10, $0x1;
	s10 =	sld [smem:$0x3FB1];
	_ =	sdelay $0x3  }
0x34: {  	[smem:$0x3FB1] =	sst s10  }
0x35: {  	s10 =	sld [smem:$0x3FB0];
	_ =	sdelay $0x3  }
0x36: {  	p1 =	seq.s32 s10, $0x1;
	s10 =	sld [smem:$0x3FB1];
	_ =	sdelay $0x3  }
0x37: {  	[smem:$0x3FB1] =	sst s10  }
0x38: {  	s10 =	sld [smem:$0x3FB2]  }
0x39: {  	_ = 	snop;
	(pc) =	sbr.ind lr, $3  }
0x3a: {  	_ = 	snop  }
0x3b: {  	_ = 	snop  }
0x3c: {  	p2 =	seq.s32 s10, $0x1;
	s10 =	sld [smem:$0x3FB1]  }
0x3d: {  	_ =	shalt  }
0x3e: {  	_ =	shalt  }
0x3f: {  	_ =	shalt  }
0x40: {  	_ =	shalt  }
0x41: {  	_ =	shalt  }
0x42: {  	_ =	shalt  }
0x43: {  	_ =	shalt  }
0x44: {  	_ =	shalt  }
0x45: {  	_ =	shalt  }
0x46: {  	_ =	shalt  }
0x47: {  	_ =	shalt  }
0x48: {  	_ =	shalt  }
0x49: {  	_ =	shalt  }
0x4a: {  	_ =	shalt  }
0x4b: {  	_ =	shalt  }
0x4c: {  	_ =	shalt  }
0x4d: {  	_ =	shalt  }
0x4e: {  	_ =	shalt  }
0x4f: {  	_ =	shalt  }
0x50: {  	_ =	shalt  }
0x51: {  	_ =	shalt  }
0x52: {  	_ =	shalt  }
0x53: {  	_ =	shalt  }
0x54: {  	_ =	shalt  }
0x55: {  	_ =	shalt  }
0x56: {  	_ =	shalt  }
0x57: {  	_ =	shalt  }
0x58: {  	_ =	shalt  }
0x59: {  	_ =	shalt  }
0x5a: {  	_ =	shalt  }
0x5b: {  	_ =	shalt  }
0x5c: {  	_ =	shalt  }
0x5d: {  	_ =	shalt  }
0x5e: {  	_ =	shalt  }
0x5f: {  	_ =	shalt  }
0x60: {  	_ =	shalt  }
0x61: {  	_ =	shalt  }
0x62: {  	_ =	shalt  }
0x63: {  	_ =	shalt  }
0x64: {  	_ =	shalt  }
0x65: {  	_ =	shalt  }
0x66: {  	_ =	shalt  }
0x67: {  	_ =	shalt  }
0x68: {  	_ =	shalt  }
0x69: {  	_ =	shalt  }
0x6a: {  	_ =	shalt  }
0x6b: {  	_ =	shalt  }
0x6c: {  	_ =	shalt  }
0x6d: {  	_ =	shalt  }
0x6e: {  	_ =	shalt  }
0x6f: {  	_ =	shalt  }
0x70: {  	_ =	shalt  }
0x71: {  	_ =	shalt  }
0x72: {  	_ =	shalt  }
0x73: {  	_ =	shalt  }
0x74: {  	_ =	shalt  }
0x75: {  	_ =	shalt  }
0x76: {  	_ =	shalt  }
0x77: {  	_ =	shalt  }
0x78: {  	_ =	shalt  }
0x79: {  	_ =	shalt  }
0x7a: {  	_ =	shalt  }
0x7b: {  	_ =	shalt  }
0x7c: {  	_ =	shalt  }
0x7d: {  	_ =	shalt  }
0x7e: {  	_ =	shalt  }
0x7f: {  	_ =	shalt  }
0x80: {  	_ =	shalt  }
0x81: {  	_ =	shalt  }
0x82: {  	_ =	shalt  }
0x83: {  	_ =	shalt  }
0x84: {  	_ =	shalt  }
0x85: {  	_ =	shalt  }
0x86: {  	_ =	shalt  }
0x87: {  	_ =	shalt  }
.Lfunc_end0:
.L_simem_size_0:
called_computation.3_lowered:
.L_overlay_start_0:
0x88: {  	s2 =	sld [smem:$0x3FD9]  }
0x89: {  	s3 =	sld [smem:$0x3FFE];
	_ =	sdelay $0x1  }
0x8a: {  	s1 =	srdreg.scid  }
0x8b: {  	s0 =	sand.u32 $0x1, s1  }
0x8c: {  	s17 =	sshll.u32 s0, $0xA;
	s2 =	sadd.s32 s3, s2  }
0x8d: {  	s2 =	sadd.s32 s2, s17  }
0x8e: {  	[smem:$0x3FBD] =	sst s2  }
0x8f: {  	_ = 	snop  }
0x90: {  	s2 =	sld [smem:$0x3FD0];
	(tm) =	ssettm $0x1  }
0x91: {  	s18 =	sld [smem:$0x3FFB];
	_ =	sdelay $0x3  }
0x92: {  	_ =	strace s18  }
0x93: {  	s3 =	sld [smem:$0x3FFC];
	_ =	sdelay $0x3  }
0x94: {  	_ =	strace s3  }
0x95: {  	s3 =	sld [smem:$0x3FFD];
	_ =	sdelay $0x3  }
0x96: {  	_ =	strace s3  }
0x97: {  	_ =	strace $0x8FFFFFFF  }
0x98: {  	s19 =	sld [smem:$0x3FDB];
	_ =	sdelay $0x1  }
0x99: {  	s4 =	simm.s32 $_scs_section_size  }
0x9a: {  	s5 =	simm.s32 $_size__tile_overlayer_lowered;
	s6 =	simm.s32 $_tile_overlayer_lowered  }
0x9b: {  	s22 =	simm.s32 $0x1BFF;
	s21 =	sshll.u32 s6, $0x1;
	s3 =	sadd.s32 s4, s19  }
0x9c: {  	s7 =	simm.s32 $0x0;
	s20 =	sshll.u32 s5, $0x1;
	s5 =	sadd.s32 s21, s3  }
0x9d: {  	[timem:s7], [sflag:s22] =	dma.local [hbm:s5], s20  }
0x9e: {  	_ =	swait.ge [sflag:s22], s20  }
0x9f: {  	s4 =	ssub.s32 $0x0, s20;
	[sflag:s22] =	ssyncset.done $0x0  }
0xa0: {  	[sflag:s22] =	ssyncadd.s32 s4;
	_ =	sdelay $0x1  }
0xa1: {  	s23 =	simm.s32 $0x1B8B  }
0xa2: {  	_ =	swait.ge [sflag:s23], $0x1  }
0xa3: {  	[sflag:s23] =	ssyncset.done $0x0  }
0xa4: {  	s25 =	simm.s32 $0x1B8E;
	s24 =	sld [smem:$0x3FFE];
	[sflag:s23] =	ssyncadd.s32 $0xFFFFFFFF  }
0xa5: {  	s26 =	simm.s32 $execute0_lowered;
	[smem:$0x3FD2] =	sst s25  }
0xa6: {  	s5 =	sshll.u32 s26, $0x1;
	_ =	strace $0x8000004F;
	[dreg:$0x1] =	wrdreg $0xFFFFFFFF  }
0xa7: {  	s28 =	simm.s32 $_size_execute0_lowered;
	s3 =	sadd.s32 s3, s5;
	[dreg:$0x0] =	wrdreg $0x0  }
0xa8: {  	s5 =	sshll.u32 s28, $0x1;
	[dreg:$0x2] =	wrdreg s3  }
0xa9: {  	[dreg:$0x3] =	wrdreg s5  }
0xaa: {  	[dreg:$0x4] =	wrdreg $0xC0  }
0xab: {  	_ =	task [dreg:s7], $0x5FFFF  }
0xac: {  	[dreg:$0x1] =	wrdreg $0xFFFFFFFF  }
0xad: {  	[dreg:$0x0] =	wrdreg $0x60  }
0xae: {  	[dreg:$0x2] =	wrdreg s2  }
0xaf: {  	[dreg:$0x3] =	wrdreg s24  }
0xb0: {  	[dreg:$0x4] =	wrdreg $0x82000  }
0xb1: {  	[dreg:$0x5] =	wrdreg $0x9  }
0xb2: {  	_ =	task.clear_ibuf [dreg:s7], $0x6FFFF;
	_ =	strace $0x9000004F  }
0xb3: {  	s29 =	simm.s32 $0x9;
	_ =	strace $0x80000051  }
0xb4: {  	_ =	swait.ge [sflag:s29], $0x1  }
0xb5: {  	[sflag:s29] =	ssyncadd.s32 $0xFFFFFFFF  }
0xb6: {  	_ =	strace $0x90000051  }
0xb7: {  	_ =	sfence  }
0xb8: {  	s30 =	sld [smem:$0x0];
	_ =	sdelay $0x2  }
0xb9: {  	s31 =	sshll.u32 s1, $0xD;
	s1 =	sshrl.u32 s1, $0x2  }
0xba: {  	s3 =	sand.u32 $0x4000, s31;
	s1 =	sadd.s32 s1, s30  }
0xbb: {  	s0 =	sor.u32 s3, s0;
	s1 =	sshll.u32 s1, $0x11  }
0xbc: {  	s0 =	sor.u32 s1, s0  }
0xbd: {  	s0 =	sadd.s32 $0x8F2B, s0  }
0xbe: {  	[sflag:s0] =	ssyncadd.remote.s32 $0x1  }
0xbf: {  	_ =	sfence.sel $0xFFFF  }
0xc0: {  	[dreg:$0x0] =	wrdreg $0xFFFFFFFF;
	(pc) =	sbr.abs _section_cstart, $3  }
0xc1: {  	[dreg:$0x1] =	wrdreg $0xFFFFFFFF  }
0xc2: {  	_ =	task.clear_ibuf [dreg:s7], $0x2FFFF;
	_ =	strace $0x9FFFFFFF  }
0xc3: {  	(tm) =	ssettm $0x7FFFFFFF  }
tec
execute0_lowered:
.L_overlay_start_1:
0x0: {  	(tag) =	ssettag $0x1  }
0x1: {  	s1 =	rddreg [dreg:$0x0]  }
0x2: {  	s6 =	rddreg [dreg:$0x1]  }
0x3: {  	s2 =	rddreg [dreg:$0x2]  }
0x4: {  	s3 =	srdreg.scid;
	s0 =	rddreg [dreg:$0x3]  }
0x5: {  	s4 =	simm.s32 $0x0;
	s15 =	simm.s32 $0x7D;
	s16 =	simm.s32 $0x200  }
0x6: {  	s17 =	simm.s32 $0x100;
	s18 =	simm.s32 $0x4200;
	s19 =	simm.s32 $0x1  }
0x7: {  	s20 =	simm.s32 $0x80;
	s21 =	simm.s32 $0x2;
	s7 =	sand.u32 $0x1, s3  }
0x8: {  	s22 =	simm.s32 $0x180;
	s3 =	stileid.u32;
	s5 =	smul.u32 $0x140000, s7  }
0x9: {  	s23 =	simm.s32 $0x0;
	[smem:$0x7FF] =	sst s4;
	s8 =	smul.u32 $0x14000, s3  }
0xa: {  	s12 =	sadd.s32 $0x3800, s6;
	_ =	strace $0x80000050;
	s10 =	smul.u32 $0x50000, s3  }
0xb: {  	s9 =	sshll.u32 s7, $0x4;
	s26 =	ssub.s32 $0x2, s7;
	s7 =	smul.u32 $0x50000, s7  }
0xc: {  	s13 =	smul.u32 $0x5000, s3;
	s28 =	sshll.u32 s3, $0x6;
	s9 =	sor.u32 s3, s9  }
0xd: {  	s11 =	sshrl.u32 s26, $0x1;
	s8 =	sadd.s32 s8, s5;
	s5 =	sadd.s32 $0x17800, s6  }
0xe: {  	s9 =	smul.u32 $0x5000, s9;
	s10 =	sshrl.u32 s10, $0x2;
	s11 =	ssub.s32 s26, s11  }
0xf: {  	s29 =	sadd.s32 s13, s7;
	s8 =	sshrl.u32 s8, $0x3;
	s14 =	sadd.s32 s10, s2  }
0x10: {  	s13 =	sor.u32 $0x100, s29;
	s31 =	sor.u32 $0x200, s29;
	s8 =	sadd.s32 s8, s6  }
0x11: {  	s6 =	sor.u32 $0x1C03, s28;
	s9 =	sshrl.u32 s9, $0x3;
	s30 =	sshrl.u32 s13, $0x3  }
0x12: {  	s13 =	sshrl.u32 s31, $0x3;
	s7 =	sadd.s32 s12, s9;
	s8 =	sadd.s32 $0x6A000, s8  }
0x13: {  	s9 =	smax.u32 s11, $0x1;
	s11 =	sadd.s32 s30, s12;
	s12 =	sadd.s32 s13, s12  }
0x14: {  	s13 =	sshrl.u32 s14, $0x3;
	s14 =	simm.s32 $0x3;
	s10 =	sadd.s32 $0x9E0, s7  }
.LBB2_1:
0x15: {  	[spmem:s13], [sflag:s6] =	dma.local [hbm:s5], $0x2800  }
0x16: {  	_ =	swait.ge [sflag:s14], $0x2800  }
0x17: {  	[sflag:s14] =	ssyncset.done $0x0  }
0x18: {  	[sflag:s14] =	ssyncadd.s32 $0xFFFFD800  }
0x19: {  	[bflag:$0x0] =	sbarrier.arrive $0xFFFF  }
0x1a: {  	[tilespmem:s4], [sflag:$0x3] =	stream.linear.gather [hbm4b:s7+s4], $0x100, $0x38;
	[tilespmem:$0x1C200] =	vst v63  }
0x1b: {  	_ =	swait.ge [sflag:s14], $0x100  }
0x1c: {  	[sflag:s14] =	ssyncset.done $0x0  }
0x1d: {  	[sflag:s14] =	ssyncadd.s32 $0xFFFFFF00  }
0x1e: {  	[tilespmem:s16], [sflag:$0x1] =	stream.indirect.gather [hbm4b:s1+s15], $0x80, s4, s15, $0xb8;
	[tilespmem:$0x1C200] =	vst v63  }
0x1f: {  	s24 =	sadd.s32 $0x0, s11  }
0x20: {  	[tilespmem:s17], [sflag:$0x3] =	stream.linear.gather [hbm4b:s24+s4], $0x100, $0x38;
	[tilespmem:$0x1C200] =	vst v63  }
0x21: {  	_ =	swait.ge [sflag:s14], $0x100  }
0x22: {  	[sflag:s14] =	ssyncset.done $0x0  }
0x23: {  	[sflag:s14] =	ssyncadd.s32 $0xFFFFFF00  }
0x24: {  	[tilespmem:s18], [sflag:$0x2] =	stream.indirect.gather [hbm4b:s1+s15], $0x80, s17, s15, $0xb8;
	[tilespmem:$0x1C200] =	vst v63  }
0x25: {  	_ =	swait.ge [sflag:s19], $0x3E80  }
0x26: {  	[sflag:s19] =	ssyncset.done $0x0  }
0x27: {  	[sflag:s19] =	ssyncadd.s32 $0xFFFFC180  }
0x28: {  	[spmem:s2] =	stream.indirect.scatter.add.f32 [tilespmem:s16], [sflag:$0x3], $0x80, s20, s15, $0xb8;
	[tilespmem:$0x1C200] =	vst v63  }
0x29: {  	_ =	swait.ge [sflag:s14], $0x3E80  }
0x2a: {  	[sflag:s14] =	ssyncset.done $0x0  }
0x2b: {  	s31 =	sadd.s32 $0x0, s12;
	[sflag:s14] =	ssyncadd.s32 $0xFFFFC180  }
0x2c: {  	[tilespmem:s4], [sflag:$0x3] =	stream.linear.gather [hbm4b:s31+s4], $0x100, $0x38;
	[tilespmem:$0x1C200] =	vst v63  }
0x2d: {  	_ =	swait.ge [sflag:s14], $0x100  }
0x2e: {  	[sflag:s14] =	ssyncset.done $0x0  }
0x2f: {  	[sflag:s14] =	ssyncadd.s32 $0xFFFFFF00  }
0x30: {  	[tilespmem:s16], [sflag:$0x1] =	stream.indirect.gather [hbm4b:s1+s15], $0x80, s4, s15, $0xb8;
	[tilespmem:$0x1C200] =	vst v63  }
0x31: {  	_ =	swait.ge [sflag:s21], $0x3E80  }
0x32: {  	[sflag:s21] =	ssyncset.done $0x0  }
0x33: {  	[sflag:s21] =	ssyncadd.s32 $0xFFFFC180  }
0x34: {  	[spmem:s2] =	stream.indirect.scatter.add.f32 [tilespmem:s18], [sflag:$0x3], $0x80, s22, s15, $0xb8;
	[tilespmem:$0x1C200] =	vst v63  }
0x35: {  	_ =	swait.ge [sflag:s14], $0x3E80  }
0x36: {  	s25 =	simm.s32 $0x80;
	s24 =	simm.s32 $0x40;
	[sflag:s14] =	ssyncset.done $0x0  }
.LBB2_2:
0x37: {  	s26 =	sadd.s32 s24, s11  }
0x38: {  	[sflag:s14] =	ssyncadd.s32 $0xFFFFC180;
	s28 =	smov.u32 s25;
	s29 =	sadd.s32 $0x40, s25  }
0x39: {  	[tilespmem:s17], [sflag:$0x3] =	stream.linear.gather [hbm4b:s26+s4], $0x100, $0x38;
	[tilespmem:$0x1C200] =	vst v63  }
0x3a: {  	p0 =	sne.s32 s25, $0x980;
	_ =	swait.ge [sflag:s14], $0x100  }
0x3b: {  	[sflag:s14] =	ssyncset.done $0x0  }
0x3c: {  	[sflag:s14] =	ssyncadd.s32 $0xFFFFFF00  }
0x3d: {  	[tilespmem:s18], [sflag:$0x2] =	stream.indirect.gather [hbm4b:s1+s15], $0x80, s17, s15, $0xb8;
	[tilespmem:$0x1C200] =	vst v63  }
0x3e: {  	_ =	swait.ge [sflag:s19], $0x3E80  }
0x3f: {  	[sflag:s19] =	ssyncset.done $0x0  }
0x40: {  	[sflag:s19] =	ssyncadd.s32 $0xFFFFC180  }
0x41: {  	[spmem:s2] =	stream.indirect.scatter.add.f32 [tilespmem:s16], [sflag:$0x3], $0x80, s20, s15, $0xb8;
	[tilespmem:$0x1C200] =	vst v63  }
0x42: {  	_ =	swait.ge [sflag:s14], $0x3E80  }
0x43: {  	[sflag:s14] =	ssyncset.done $0x0  }
0x44: {  	s25 =	sadd.s32 s24, s12;
	s24 =	smov.u32 s28;
	[sflag:s14] =	ssyncadd.s32 $0xFFFFC180  }
0x45: {  	[tilespmem:s4], [sflag:$0x3] =	stream.linear.gather [hbm4b:s25+s4], $0x100, $0x38;
	[tilespmem:$0x1C200] =	vst v63  }
0x46: {  	_ =	swait.ge [sflag:s14], $0x100  }
0x47: {  	[sflag:s14] =	ssyncset.done $0x0  }
0x48: {  	[sflag:s14] =	ssyncadd.s32 $0xFFFFFF00  }
0x49: {  	[tilespmem:s16], [sflag:$0x1] =	stream.indirect.gather [hbm4b:s1+s15], $0x80, s4, s15, $0xb8;
	[tilespmem:$0x1C200] =	vst v63  }
0x4a: {  	_ =	swait.ge [sflag:s21], $0x3E80  }
.Ltmp0:
0x4b: {  	[sflag:s21] =	ssyncset.done $0x0;
	(pc) =	sbr.rel @p0 .LBB2_2-.Ltmp0, $4  }
0x4c: {  	[sflag:s21] =	ssyncadd.s32 $0xFFFFC180  }
0x4d: {  	[spmem:s2] =	stream.indirect.scatter.add.f32 [tilespmem:s18], [sflag:$0x3], $0x80, s22, s15, $0xb8;
	[tilespmem:$0x1C200] =	vst v63  }
0x4e: {  	_ =	swait.ge [sflag:s14], $0x3E80  }
0x4f: {  	s25 =	smov.u32 s29;
	[sflag:s14] =	ssyncset.done $0x0  }
0x50: {  	s25 =	sadd.s32 s24, s11;
	[sflag:s14] =	ssyncadd.s32 $0xFFFFC180  }
0x51: {  	[tilespmem:s17], [sflag:$0x3] =	stream.linear.gather [hbm4b:s25+s4], $0x100, $0x38;
	[tilespmem:$0x1C200] =	vst v63  }
0x52: {  	_ =	swait.ge [sflag:s14], $0x100  }
0x53: {  	[sflag:s14] =	ssyncset.done $0x0  }
0x54: {  	[sflag:s14] =	ssyncadd.s32 $0xFFFFFF00  }
0x55: {  	[tilespmem:s18], [sflag:$0x2] =	stream.indirect.gather [hbm4b:s1+s15], $0x80, s17, s15, $0xb8;
	[tilespmem:$0x1C200] =	vst v63  }
0x56: {  	_ =	swait.ge [sflag:s19], $0x3E80  }
0x57: {  	[sflag:s19] =	ssyncset.done $0x0  }
0x58: {  	[sflag:s19] =	ssyncadd.s32 $0xFFFFC180  }
0x59: {  	[spmem:s2] =	stream.indirect.scatter.add.f32 [tilespmem:s16], [sflag:$0x3], $0x80, s20, s15, $0xb8;
	[tilespmem:$0x1C200] =	vst v63  }
0x5a: {  	_ =	swait.ge [sflag:s14], $0x3E80  }
0x5b: {  	[sflag:s14] =	ssyncset.done $0x0  }
0x5c: {  	s31 =	sadd.s32 s24, s12;
	[sflag:s14] =	ssyncadd.s32 $0xFFFFC180  }
0x5d: {  	[tilespmem:s4], [sflag:$0x3] =	stream.linear.gather [hbm4b:s31+s4], $0x100, $0x38;
	[tilespmem:$0x1C200] =	vst v63  }
0x5e: {  	_ =	swait.ge [sflag:s14], $0x100  }
0x5f: {  	[sflag:s14] =	ssyncset.done $0x0  }
0x60: {  	[sflag:s14] =	ssyncadd.s32 $0xFFFFFF00  }
0x61: {  	[tilespmem:s16], [sflag:$0x1] =	stream.indirect.gather [hbm4b:s1+s15], $0x80, s4, s15, $0xb8;
	[tilespmem:$0x1C200] =	vst v63  }
0x62: {  	_ =	swait.ge [sflag:s21], $0x3E80  }
0x63: {  	[sflag:s21] =	ssyncset.done $0x0  }
0x64: {  	[sflag:s21] =	ssyncadd.s32 $0xFFFFC180  }
0x65: {  	[spmem:s2] =	stream.indirect.scatter.add.f32 [tilespmem:s18], [sflag:$0x3], $0x80, s22, s15, $0xb8;
	[tilespmem:$0x1C200] =	vst v63  }
0x66: {  	_ =	swait.ge [sflag:s14], $0x3E80  }
0x67: {  	[sflag:s14] =	ssyncset.done $0x0  }
0x68: {  	[sflag:s14] =	ssyncadd.s32 $0xFFFFC180  }
0x69: {  	[tilespmem:s17], [sflag:$0x3] =	stream.linear.gather [hbm4b:s10+s4], $0x100, $0x38;
	[tilespmem:$0x1C200] =	vst v63  }
0x6a: {  	_ =	swait.ge [sflag:s14], $0x100  }
0x6b: {  	[sflag:s14] =	ssyncset.done $0x0  }
0x6c: {  	[sflag:s14] =	ssyncadd.s32 $0xFFFFFF00  }
0x6d: {  	[tilespmem:s18], [sflag:$0x2] =	stream.indirect.gather [hbm4b:s1+s15], $0x80, s17, s15, $0xb8;
	[tilespmem:$0x1C200] =	vst v63  }
0x6e: {  	_ =	swait.ge [sflag:s19], $0x3E80  }
0x6f: {  	[sflag:s19] =	ssyncset.done $0x0  }
0x70: {  	[sflag:s19] =	ssyncadd.s32 $0xFFFFC180  }
0x71: {  	[spmem:s2] =	stream.indirect.scatter.add.f32 [tilespmem:s16], [sflag:$0x3], $0x80, s20, s15, $0xb8;
	[tilespmem:$0x1C200] =	vst v63  }
0x72: {  	_ =	swait.ge [sflag:s14], $0x3E80  }
0x73: {  	[sflag:s14] =	ssyncset.done $0x0  }
0x74: {  	[sflag:s14] =	ssyncadd.s32 $0xFFFFC180  }
0x75: {  	[tilespmem:s4], [sflag:$0x3] =	stream.linear.gather [hbm4b:s10+s4], $0x100, $0x38;
	[tilespmem:$0x1C200] =	vst v63  }
0x76: {  	_ =	swait.ge [sflag:s14], $0x100  }
0x77: {  	[sflag:s14] =	ssyncset.done $0x0  }
0x78: {  	[sflag:s14] =	ssyncadd.s32 $0xFFFFFF00  }
0x79: {  	[tilespmem:s16], [sflag:$0x1] =	stream.indirect.gather [hbm4b:s1+s15], $0x80, s4, s15, $0xb8;
	[tilespmem:$0x1C200] =	vst v63  }
0x7a: {  	_ =	swait.ge [sflag:s21], $0x3E80  }
0x7b: {  	[sflag:s21] =	ssyncset.done $0x0  }
0x7c: {  	[sflag:s21] =	ssyncadd.s32 $0xFFFFC180  }
0x7d: {  	[spmem:s2] =	stream.indirect.scatter.add.f32 [tilespmem:s18], [sflag:$0x3], $0x80, s22, s15, $0xb8;
	[tilespmem:$0x1C200] =	vst v63  }
0x7e: {  	_ =	swait.ge [sflag:s14], $0x3E80  }
0x7f: {  	[sflag:s14] =	ssyncset.done $0x0  }
0x80: {  	[sflag:s14] =	ssyncadd.s32 $0xFFFFC180  }
0x81: {  	_ =	swait.ge [sflag:s19], $0x3E80  }
0x82: {  	s23 =	sadd.s32 $0x1, s23;
	[sflag:s19] =	ssyncset.done $0x0  }
0x83: {  	p0 =	sne.s32 s23, s9;
	[sflag:s19] =	ssyncadd.s32 $0xFFFFC180  }
.Ltmp1:
0x84: {  	[bflag:$0x0] =	sbarrier.arrive $0xFFFF;
	(pc) =	sbr.rel @p0 .LBB2_1-.Ltmp1, $4  }
0x85: {  	[hbm:s8], [sflag:s6] =	dma.local [spmem:s13], $0x2800  }
0x86: {  	_ =	swait.ge [sflag:s14], $0x2800  }
0x87: {  	[sflag:s14] =	ssyncset.done $0x0  }
0x88: {  	[sflag:s14] =	ssyncadd.s32 $0xFFFFD800  }
0x89: {  	_ =	sfence.sel $0x180000  }
0x8a: {  	[bflag:$0x0] =	sbarrier.arrive $0xFFFF  }
0x8b: {  	p0 =	sne.s32 s3, $0x0;
	_ =	strace $0x90000050  }
0x8c: {  	s0 =	sadd.s32 @!p0 $0x100000, s0;
	[bflag:$0x2] =	sbarrier.arrive $0xFFFF  }
0x8d: {  	[sflag:s0] =	ssyncadd.tile.s32 @!p0 $0x1;
	_ =	shalt  }
.Lfunc_end2:
_tile_overlayer_lowered:
.L_overlay_start_2:
0x8e: {  	(tag) =	ssettag $0x2  }
0x8f: {  	s0 =	rddreg [dreg:$0x0];
	s2 =	stileid.u32  }
0x90: {  	s1 =	rddreg [dreg:$0x1];
	p0 =	sne.s32 s2, $0x0  }
0x91: {  	s3 =	rddreg [dreg:$0x2];
	[bflag:$0x3] =	sbarrier.arrive $0xFFFF;
	s2 =	simm.s32 @!p0 $0x1C03  }
0x92: {  	[timem:s3], [sflag:s2] =	dma.local @!p0 [hbm:s0], s1  }
0x93: {  	s0 =	simm.s32 @!p0 $0x3  }
0x94: {  	_ =	swait.ge @!p0 [sflag:s0], s1  }
0x95: {  	s1 =	ssub.s32 @!p0 $0x0, s1;
	[sflag:s0] =	ssyncset.done @!p0 $0x0  }
0x96: {  	[sflag:s0] =	ssyncadd.s32 @!p0 s1  }
0x97: {  	[bflag:$0x3] =	sbarrier.arrive $0xFFFF  }
0x98: {  	_ =	shalt  }

// kernel: kernel.9.cloned.1.call-start
scs
__scs_entry_jumppad:
0x0: {  	(pc) =	sbr.rel $0x88, $3  }
0x1: {  	(tag) =	ssettag $0x0;
	lr =	simm.s32 $0x1  }
0x2: {  	[smem:$0x3F96] =	sst lr;
	_ =	strace $0xD0000000  }
0x3: {  	_ = 	snop  }
0x4: {  	_ = 	snop  }
0x5: {  	_ = 	snop  }
0x6: {  	_ = 	snop  }
0x7: {  	_ = 	snop  }
__scs_overlays_trampoline_lowered:
0x8: {  	[smem:$0x3FA5] =	sst s0  }
0x9: {  	[smem:$0x3FA6] =	sst s1  }
0xa: {  	[smem:$0x3FA7] =	sst s2  }
0xb: {  	[smem:$0x3FA8] =	sst s3  }
0xc: {  	[smem:$0x3FA9] =	sst s4  }
0xd: {  	[smem:$0x3FAA] =	sst s5  }
0xe: {  	[smem:$0x3FAB] =	sst s6  }
0xf: {  	[smem:$0x3FAC] =	sst s7  }
0x10: {  	[smem:$0x3FAD] =	sst s8  }
0x11: {  	[smem:$0x3FAE] =	sst s9;
	s0 =	simm.s32 @!p0 $0x0  }
0x12: {  	s1 =	sld [smem:$0x3F94];
	s0 =	simm.s32 @p0 $0x1  }
0x13: {  	[smem:$0x3FAF] =	sst s0;
	s0 =	simm.s32 @!p1 $0x0  }
0x14: {  	s2 =	sld [smem:$0x3F93];
	s0 =	simm.s32 @p1 $0x1  }
0x15: {  	[smem:$0x3FB0] =	sst s0;
	s0 =	simm.s32 @!p2 $0x0  }
0x16: {  	s3 =	sld [smem:$0x3FDB];
	s0 =	simm.s32 @p2 $0x1  }
0x17: {  	s4 =	simm.s32 $0x1BF5;
	[smem:$0x3FB2] =	sst s0  }
0x18: {  	s0 =	sld [smem:$0x3F95];
	_ =	swait.ge [sflag:s4], $0x0  }
0x19: {  	s7 =	sld [smem:$0x3F96]  }
0x1a: {  	s8 =	sadd.s32 $0xFFFFE003, lr  }
0x1b: {  	s9 =	sadd.s32 $0xFFFFFEF7, lr;
	s5 =	simm.s32 $0xFFFFFFFF;
	p2 =	slt.u32 s8, $0xFFFFF086  }
0x1c: {  	p1 =	slt.u32 s9, $0xF7A;
	s5 =	simm.s32 @!p2 $0x0  }
0x1d: {  	s5 =	simm.s32 @p1 $0x1;
	p0 =	seq.s32 s7, s2  }
0x1e: {  	s7 =	smul.u32 @!p0 $0xF7A, s2;
	p2 =	seq.s32 @!p0 s5, $0x0  }
0x1f: {  	s9 =	smul.u32 $0xF7A, s1;
	s8 =	simm.s32 @!p0 $0x1BF5;
	p2 =	por !p2, p0  }
0x20: {  	[sflag:s8] =	ssyncset.s32 @!p0 $0xFFFFF086;
	s6 =	sadd.s32 @!p0 s3, s7;
	s7 =	simm.s32 @!p0 $0x108  }
0x21: {  	s3 =	sadd.s32 s3, s9;
	s6 =	sadd.s32 @!p0 $0x88, s6;
	s7 =	simm.s32 @p2 $0x1082  }
0x22: {  	[simem:s7], [sflag:s8] =	dma.local @!p0 [hbm:s6], $0xF7A  }
0x23: {  	s9 =	sor.u32 $0xD0000000, s2;
	s6 =	simm.s32 $0x108;
	_ =	swait.ge @!p0 [sflag:s8], $0x0  }
0x24: {  	s3 =	sadd.s32 $0x88, s3;
	s6 =	simm.s32 @!p1 $0x1082;
	[sflag:s4] =	ssyncset.s32 $0xFFFFF086  }
0x25: {  	[simem:s6], [sflag:s4] =	dma.local [hbm:s3], $0xF7A  }
0x26: {  	[smem:$0x3F96] =	sst s1;
	(tag) =	ssettag s2;
	_ =	strace s9  }
0x27: {  	s1 =	sld [smem:$0x3FA6]  }
0x28: {  	s2 =	sld [smem:$0x3FA7]  }
0x29: {  	s4 =	sld [smem:$0x3FA9]  }
0x2a: {  	p0 =	seq.s32 s5, $0x0;
	s5 =	sld [smem:$0x3FAA]  }
0x2b: {  	s6 =	sld [smem:$0x3FAB]  }
0x2c: {  	s7 =	sld [smem:$0x3FAC]  }
0x2d: {  	s3 =	simm.s32 $0x108;
	s8 =	sld [smem:$0x3FAD]  }
0x2e: {  	s3 =	simm.s32 @!p0 $0x1082;
	s9 =	sld [smem:$0x3FAE]  }
0x2f: {  	lr =	sadd.s32 s0, s3;
	s0 =	sld [smem:$0x3FA5]  }
0x30: {  	s3 =	sld [smem:$0x3FA8]  }
0x31: {  	[smem:$0x3FB1] =	sst s10  }
0x32: {  	s10 =	sld [smem:$0x3FAF];
	_ =	sdelay $0x3  }
0x33: {  	p0 =	seq.s32 s10, $0x1;
	s10 =	sld [smem:$0x3FB1];
	_ =	sdelay $0x3  }
0x34: {  	[smem:$0x3FB1] =	sst s10  }
0x35: {  	s10 =	sld [smem:$0x3FB0];
	_ =	sdelay $0x3  }
0x36: {  	p1 =	seq.s32 s10, $0x1;
	s10 =	sld [smem:$0x3FB1];
	_ =	sdelay $0x3  }
0x37: {  	[smem:$0x3FB1] =	sst s10  }
0x38: {  	s10 =	sld [smem:$0x3FB2]  }
0x39: {  	_ = 	snop;
	(pc) =	sbr.ind lr, $3  }
0x3a: {  	_ = 	snop  }
0x3b: {  	_ = 	snop  }
0x3c: {  	p2 =	seq.s32 s10, $0x1;
	s10 =	sld [smem:$0x3FB1]  }
0x3d: {  	_ =	shalt  }
0x3e: {  	_ =	shalt  }
0x3f: {  	_ =	shalt  }
0x40: {  	_ =	shalt  }
0x41: {  	_ =	shalt  }
0x42: {  	_ =	shalt  }
0x43: {  	_ =	shalt  }
0x44: {  	_ =	shalt  }
0x45: {  	_ =	shalt  }
0x46: {  	_ =	shalt  }
0x47: {  	_ =	shalt  }
0x48: {  	_ =	shalt  }
0x49: {  	_ =	shalt  }
0x4a: {  	_ =	shalt  }
0x4b: {  	_ =	shalt  }
0x4c: {  	_ =	shalt  }
0x4d: {  	_ =	shalt  }
0x4e: {  	_ =	shalt  }
0x4f: {  	_ =	shalt  }
0x50: {  	_ =	shalt  }
0x51: {  	_ =	shalt  }
0x52: {  	_ =	shalt  }
0x53: {  	_ =	shalt  }
0x54: {  	_ =	shalt  }
0x55: {  	_ =	shalt  }
0x56: {  	_ =	shalt  }
0x57: {  	_ =	shalt  }
0x58: {  	_ =	shalt  }
0x59: {  	_ =	shalt  }
0x5a: {  	_ =	shalt  }
0x5b: {  	_ =	shalt  }
0x5c: {  	_ =	shalt  }
0x5d: {  	_ =	shalt  }
0x5e: {  	_ =	shalt  }
0x5f: {  	_ =	shalt  }
0x60: {  	_ =	shalt  }
0x61: {  	_ =	shalt  }
0x62: {  	_ =	shalt  }
0x63: {  	_ =	shalt  }
0x64: {  	_ =	shalt  }
0x65: {  	_ =	shalt  }
0x66: {  	_ =	shalt  }
0x67: {  	_ =	shalt  }
0x68: {  	_ =	shalt  }
0x69: {  	_ =	shalt  }
0x6a: {  	_ =	shalt  }
0x6b: {  	_ =	shalt  }
0x6c: {  	_ =	shalt  }
0x6d: {  	_ =	shalt  }
0x6e: {  	_ =	shalt  }
0x6f: {  	_ =	shalt  }
0x70: {  	_ =	shalt  }
0x71: {  	_ =	shalt  }
0x72: {  	_ =	shalt  }
0x73: {  	_ =	shalt  }
0x74: {  	_ =	shalt  }
0x75: {  	_ =	shalt  }
0x76: {  	_ =	shalt  }
0x77: {  	_ =	shalt  }
0x78: {  	_ =	shalt  }
0x79: {  	_ =	shalt  }
0x7a: {  	_ =	shalt  }
0x7b: {  	_ =	shalt  }
0x7c: {  	_ =	shalt  }
0x7d: {  	_ =	shalt  }
0x7e: {  	_ =	shalt  }
0x7f: {  	_ =	shalt  }
0x80: {  	_ =	shalt  }
0x81: {  	_ =	shalt  }
0x82: {  	_ =	shalt  }
0x83: {  	_ =	shalt  }
0x84: {  	_ =	shalt  }
0x85: {  	_ =	shalt  }
0x86: {  	_ =	shalt  }
0x87: {  	_ =	shalt  }
.Lfunc_end0:
.L_simem_size_0:
called_computation_lowered:
.L_overlay_start_0:
0x88: {  	s2 =	sld [smem:$0x3FD9]  }
0x89: {  	s3 =	sld [smem:$0x3FFE];
	_ =	sdelay $0x1  }
0x8a: {  	s1 =	srdreg.scid  }
0x8b: {  	s0 =	sand.u32 $0x1, s1  }
0x8c: {  	s17 =	sshll.u32 s0, $0xA;
	s2 =	sadd.s32 s3, s2  }
0x8d: {  	s2 =	sadd.s32 s2, s17  }
0x8e: {  	[smem:$0x3FBD] =	sst s2  }
0x8f: {  	_ = 	snop  }
0x90: {  	s2 =	sld [smem:$0x3FD0];
	(tm) =	ssettm $0x1  }
0x91: {  	s18 =	sld [smem:$0x3FFB];
	_ =	sdelay $0x3  }
0x92: {  	_ =	strace s18  }
0x93: {  	s3 =	sld [smem:$0x3FFC];
	_ =	sdelay $0x3  }
0x94: {  	_ =	strace s3  }
0x95: {  	s3 =	sld [smem:$0x3FFD];
	_ =	sdelay $0x3  }
0x96: {  	_ =	strace s3  }
0x97: {  	_ =	strace $0x8FFFFFFF  }
0x98: {  	s19 =	sld [smem:$0x3FDB];
	_ =	sdelay $0x1  }
0x99: {  	s4 =	simm.s32 $_scs_section_size  }
0x9a: {  	s5 =	simm.s32 $_size__tile_overlayer_lowered;
	s6 =	simm.s32 $_tile_overlayer_lowered  }
0x9b: {  	s22 =	simm.s32 $0x1BFF;
	s21 =	sshll.u32 s6, $0x1;
	s3 =	sadd.s32 s4, s19  }
0x9c: {  	s7 =	simm.s32 $0x0;
	s20 =	sshll.u32 s5, $0x1;
	s5 =	sadd.s32 s21, s3  }
0x9d: {  	[timem:s7], [sflag:s22] =	dma.local [hbm:s5], s20  }
0x9e: {  	_ =	swait.ge [sflag:s22], s20  }
0x9f: {  	s4 =	ssub.s32 $0x0, s20;
	[sflag:s22] =	ssyncset.done $0x0  }
0xa0: {  	[sflag:s22] =	ssyncadd.s32 s4;
	_ =	sdelay $0x1  }
0xa1: {  	s23 =	simm.s32 $0x1B8B  }
0xa2: {  	_ =	swait.ge [sflag:s23], $0x1  }
0xa3: {  	[sflag:s23] =	ssyncset.done $0x0  }
0xa4: {  	s25 =	simm.s32 $0x1B8E;
	s24 =	sld [smem:$0x3FFE];
	[sflag:s23] =	ssyncadd.s32 $0xFFFFFFFF  }
0xa5: {  	s26 =	simm.s32 $execute0_lowered;
	[smem:$0x3FD2] =	sst s25  }
0xa6: {  	s5 =	sshll.u32 s26, $0x1;
	_ =	strace $0x80000046;
	[dreg:$0x1] =	wrdreg $0xFFFFFFFF  }
0xa7: {  	s28 =	simm.s32 $_size_execute0_lowered;
	s3 =	sadd.s32 s3, s5;
	[dreg:$0x0] =	wrdreg $0x0  }
0xa8: {  	s5 =	sshll.u32 s28, $0x1;
	[dreg:$0x2] =	wrdreg s3  }
0xa9: {  	[dreg:$0x3] =	wrdreg s5  }
0xaa: {  	[dreg:$0x4] =	wrdreg $0xC0  }
0xab: {  	_ =	task [dreg:s7], $0x5FFFF  }
0xac: {  	[dreg:$0x1] =	wrdreg $0xFFFFFFFF  }
0xad: {  	[dreg:$0x0] =	wrdreg $0x60  }
0xae: {  	[dreg:$0x2] =	wrdreg s24  }
0xaf: {  	[dreg:$0x3] =	wrdreg s2  }
0xb0: {  	[dreg:$0x4] =	wrdreg $0x41000  }
0xb1: {  	[dreg:$0x5] =	wrdreg $0x9  }
0xb2: {  	_ =	task.clear_ibuf [dreg:s7], $0x6FFFF;
	_ =	strace $0x90000046  }
0xb3: {  	s29 =	simm.s32 $0x9;
	_ =	strace $0x80000048  }
0xb4: {  	_ =	swait.ge [sflag:s29], $0x1  }
0xb5: {  	[sflag:s29] =	ssyncadd.s32 $0xFFFFFFFF  }
0xb6: {  	_ =	strace $0x90000048  }
0xb7: {  	_ =	sfence  }
0xb8: {  	s30 =	sld [smem:$0x0];
	_ =	sdelay $0x2  }
0xb9: {  	s31 =	sshll.u32 s1, $0xD;
	s1 =	sshrl.u32 s1, $0x2  }
0xba: {  	s3 =	sand.u32 $0x4000, s31;
	s1 =	sadd.s32 s1, s30  }
0xbb: {  	s0 =	sor.u32 s3, s0;
	s1 =	sshll.u32 s1, $0x11  }
0xbc: {  	s0 =	sor.u32 s1, s0  }
0xbd: {  	s0 =	sadd.s32 $0x8F2B, s0  }
0xbe: {  	[sflag:s0] =	ssyncadd.remote.s32 $0x1  }
0xbf: {  	_ =	sfence.sel $0xFFFF  }
0xc0: {  	[dreg:$0x0] =	wrdreg $0xFFFFFFFF;
	(pc) =	sbr.abs _section_cstart, $3  }
0xc1: {  	[dreg:$0x1] =	wrdreg $0xFFFFFFFF  }
0xc2: {  	_ =	task.clear_ibuf [dreg:s7], $0x2FFFF;
	_ =	strace $0x9FFFFFFF  }
0xc3: {  	(tm) =	ssettm $0x7FFFFFFF  }
tec
execute0_lowered:
.L_overlay_start_1:
0x0: {  	(tag) =	ssettag $0x1  }
0x1: {  	s6 =	rddreg [dreg:$0x0]  }
0x2: {  	s2 =	rddreg [dreg:$0x1]  }
0x3: {  	s0 =	srdreg.scid;
	s3 =	rddreg [dreg:$0x2]  }
0x4: {  	s1 =	rddreg [dreg:$0x3];
	s7 =	sand.u32 $0x1, s0  }
0x5: {  	s0 =	stileid.u32;
	s5 =	smul.u32 $0x50000, s7  }
0x6: {  	s4 =	simm.s32 $0x0;
	s13 =	simm.s32 $0x7D;
	s8 =	smul.u32 $0x5000, s0  }
0x7: {  	s14 =	simm.s32 $0x80;
	[smem:$0x7FF] =	sst s4;
	s9 =	smul.u32 $0x140000, s7  }
0x8: {  	s15 =	simm.s32 $0x0;
	s10 =	smul.u32 $0x14000, s0;
	_ =	strace $0x80000047  }
0x9: {  	s30 =	smul.u32 $0x50000, s0;
	s31 =	ssub.s32 $0x2, s7;
	s11 =	sshll.u32 s0, $0x6  }
0xa: {  	s7 =	sshrl.u32 s31, $0x1;
	s5 =	sadd.s32 s8, s5;
	s28 =	sadd.s32 s10, s9  }
0xb: {  	s10 =	sshrl.u32 s30, $0x2;
	s12 =	ssub.s32 s31, s7;
	s5 =	sshrl.u32 s5, $0x3  }
0xc: {  	s8 =	sshrl.u32 s28, $0x3;
	s10 =	sadd.s32 s10, s3;
	s29 =	sadd.s32 s5, s6  }
0xd: {  	s5 =	sadd.s32 $0x17800, s6;
	s8 =	sadd.s32 s8, s6;
	s6 =	sor.u32 $0x1C01, s11  }
0xe: {  	s10 =	sshrl.u32 s10, $0x3;
	s11 =	simm.s32 $0x1;
	s7 =	sadd.s32 $0x1A000, s8  }
0xf: {  	s8 =	smax.u32 s12, $0x1;
	s9 =	sadd.s32 $0x3800, s29;
	s12 =	simm.s32 $0x100  }
.LBB2_1:
0x10: {  	[spmem:s10], [sflag:s6] =	dma.local [hbm:s5], $0x2800  }
0x11: {  	_ =	swait.ge [sflag:s11], $0x2800  }
0x12: {  	[sflag:s11] =	ssyncset.done $0x0  }
0x13: {  	[sflag:s11] =	ssyncadd.s32 $0xFFFFD800  }
0x14: {  	[tilespmem:s12], [sflag:$0x1] =	stream.linear.gather [hbm4b:s2+s4], $0x3E80, $0x38;
	[tilespmem:$0x18100] =	vst v63  }
0x15: {  	_ =	swait.ge [sflag:s11], $0x3E80  }
0x16: {  	[sflag:s11] =	ssyncset.done $0x0  }
0x17: {  	[sflag:s11] =	ssyncadd.s32 $0xFFFFC180  }
0x18: {  	s16 =	sadd.s32 $0x0, s9;
	[bflag:$0x0] =	sbarrier.arrive $0xFFFF  }
0x19: {  	[tilespmem:s4], [sflag:$0x1] =	stream.linear.gather [hbm4b:s16+s4], $0x100, $0x38;
	[tilespmem:$0x18100] =	vst v63  }
0x1a: {  	_ =	swait.ge [sflag:s11], $0x100  }
0x1b: {  	[sflag:s11] =	ssyncset.done $0x0  }
0x1c: {  	[sflag:s11] =	ssyncadd.s32 $0xFFFFFF00  }
0x1d: {  	[spmem:s3] =	stream.indirect.scatter.add.f32 [tilespmem:s12], [sflag:$0x1], $0x80, s14, s13, $0xb8;
	[tilespmem:$0x18100] =	vst v63  }
0x1e: {  	_ =	swait.ge [sflag:s11], $0x3E80  }
0x1f: {  	s17 =	simm.s32 $0x40;
	s16 =	simm.s32 $0x20;
	[sflag:s11] =	ssyncset.done $0x0  }
.LBB2_2:
0x20: {  	s18 =	sadd.s32 s16, s9  }
0x21: {  	[sflag:s11] =	ssyncadd.s32 $0xFFFFC180;
	s16 =	smov.u32 s17;
	s19 =	sadd.s32 $0x20, s17  }
0x22: {  	[tilespmem:s4], [sflag:$0x1] =	stream.linear.gather [hbm4b:s18+s4], $0x100, $0x38;
	[tilespmem:$0x18100] =	vst v63  }
0x23: {  	p0 =	sne.s32 s17, $0x9E0;
	_ =	swait.ge [sflag:s11], $0x100  }
.Ltmp0:
0x24: {  	[sflag:s11] =	ssyncset.done $0x0;
	(pc) =	sbr.rel @p0 .LBB2_2-.Ltmp0, $4  }
0x25: {  	[sflag:s11] =	ssyncadd.s32 $0xFFFFFF00  }
0x26: {  	[spmem:s3] =	stream.indirect.scatter.add.f32 [tilespmem:s12], [sflag:$0x1], $0x80, s14, s13, $0xb8;
	[tilespmem:$0x18100] =	vst v63  }
0x27: {  	_ =	swait.ge [sflag:s11], $0x3E80  }
0x28: {  	s17 =	smov.u32 s19;
	[sflag:s11] =	ssyncset.done $0x0  }
0x29: {  	s16 =	sadd.s32 s16, s9;
	[sflag:s11] =	ssyncadd.s32 $0xFFFFC180  }
0x2a: {  	[tilespmem:s4], [sflag:$0x1] =	stream.linear.gather [hbm4b:s16+s4], $0x100, $0x38;
	[tilespmem:$0x18100] =	vst v63  }
0x2b: {  	_ =	swait.ge [sflag:s11], $0x100  }
0x2c: {  	[sflag:s11] =	ssyncset.done $0x0  }
0x2d: {  	[sflag:s11] =	ssyncadd.s32 $0xFFFFFF00  }
0x2e: {  	[spmem:s3] =	stream.indirect.scatter.add.f32 [tilespmem:s12], [sflag:$0x1], $0x80, s14, s13, $0xb8;
	[tilespmem:$0x18100] =	vst v63  }
0x2f: {  	_ =	swait.ge [sflag:s11], $0x3E80  }
0x30: {  	s15 =	sadd.s32 $0x1, s15;
	[sflag:s11] =	ssyncset.done $0x0  }
0x31: {  	p0 =	sne.s32 s15, s8;
	[sflag:s11] =	ssyncadd.s32 $0xFFFFC180  }
.Ltmp1:
0x32: {  	[bflag:$0x0] =	sbarrier.arrive $0xFFFF;
	(pc) =	sbr.rel @p0 .LBB2_1-.Ltmp1, $4  }
0x33: {  	[hbm:s7], [sflag:s6] =	dma.local [spmem:s10], $0x2800  }
0x34: {  	_ =	swait.ge [sflag:s11], $0x2800  }
0x35: {  	[sflag:s11] =	ssyncset.done $0x0  }
0x36: {  	[sflag:s11] =	ssyncadd.s32 $0xFFFFD800  }
0x37: {  	_ =	sfence.sel $0x180000  }
0x38: {  	[bflag:$0x0] =	sbarrier.arrive $0xFFFF  }
0x39: {  	p0 =	sne.s32 s0, $0x0;
	_ =	strace $0x90000047  }
0x3a: {  	s0 =	sadd.s32 @!p0 $0x100000, s1;
	[bflag:$0x2] =	sbarrier.arrive $0xFFFF  }
0x3b: {  	[sflag:s0] =	ssyncadd.tile.s32 @!p0 $0x1;
	_ =	shalt  }
.Lfunc_end2:
_tile_overlayer_lowered:
.L_overlay_start_2:
0x3c: {  	(tag) =	ssettag $0x2  }
0x3d: {  	s0 =	rddreg [dreg:$0x0];
	s2 =	stileid.u32  }
0x3e: {  	s1 =	rddreg [dreg:$0x1];
	p0 =	sne.s32 s2, $0x0  }
0x3f: {  	s3 =	rddreg [dreg:$0x2];
	[bflag:$0x3] =	sbarrier.arrive $0xFFFF;
	s2 =	simm.s32 @!p0 $0x1C01  }
0x40: {  	[timem:s3], [sflag:s2] =	dma.local @!p0 [hbm:s0], s1  }
0x41: {  	s0 =	simm.s32 @!p0 $0x1  }
0x42: {  	_ =	swait.ge @!p0 [sflag:s0], s1  }
0x43: {  	s1 =	ssub.s32 @!p0 $0x0, s1;
	[sflag:s0] =	ssyncset.done @!p0 $0x0  }
0x44: {  	[sflag:s0] =	ssyncadd.s32 @!p0 s1  }
0x45: {  	[bflag:$0x3] =	sbarrier.arrive $0xFFFF  }
0x46: {  	_ =	shalt  }

</sc_bundles>
